<compile_context>
chip_gen: v7x
topology: tpu7x:2x2x1
jax: 0.10.2.dev20260603
libtpu: 0.0.44.dev20260713+nightly
codegen_flags: <defaults>
</compile_context>

<pallas_src>
import functools

import jax
import jax.numpy as jnp
import numpy as np
from jax import lax
from jax.experimental import pallas as pl
from jax.experimental.pallas import tpu as pltpu
from jax.experimental.pallas import tpu_sc as plsc

NUM_GT = 20000
P = 128
NBINS = 50
NC, NS, L = 2, 16, 16
NW = NC * NS
NGROUPS = NUM_GT // L
GPW = NGROUPS // NW
GREM = NGROUPS % NW
GMAX = GPW + 1
GWORDS = L * P * 4
U = 1

_f32 = jnp.float32
_i32 = jnp.int32


def _sc_body(pb_ref, gt_ref, hist_out, sum_out, buf0, buf1, buf2, buf3,
             gtbuf, histbuf, sumbuf, sem0, sem1, sem2, sem3):
    cid = lax.axis_index("c")
    sid = lax.axis_index("s")
    wid = cid * NS + sid
    ngroups = GPW + (wid < GREM).astype(_i32)
    gstart = wid * GPW + jnp.minimum(wid, GREM)

    idx16 = jnp.arange(L, dtype=_i32)
    c0 = jnp.zeros((L,), _i32)

    slab = jnp.minimum(gstart * L, NUM_GT - GMAX * L)
    for c in range(4):
        pltpu.sync_copy(gt_ref.at[c, pl.ds(slab, GMAX * L)], gtbuf.at[c])

    for b in range(NBINS):
        histbuf[b] = jnp.zeros((L,), _i32)

    def dma_start(lg, buf, sem):
        g = gstart + jnp.minimum(lg, ngroups - 1)
        pltpu.async_copy(pb_ref.at[pl.ds(g * GWORDS, GWORDS)], buf, sem)

    def dma_wait(buf, sem):
        pltpu.make_async_copy(pb_ref.at[pl.ds(0, GWORDS)], buf, sem).wait()

    hx1 = (idx16 * (4 * P)) ^ idx16
    hy1 = (idx16 * (4 * P) + P) ^ idx16
    hx2 = (idx16 * (4 * P) + 2 * P) ^ idx16
    hy2 = (idx16 * (4 * P) + 3 * P) ^ idx16

    def compute_group(buf, lg, sumvec):
        valid = (lg < ngroups).astype(_i32)
        gg = gstart + jnp.minimum(lg, ngroups - 1)
        rel = gg * L - slab
        gx1 = gtbuf[0, pl.ds(rel, L)]
        gy1 = gtbuf[1, pl.ds(rel, L)]
        gx2 = gtbuf[2, pl.ds(rel, L)]
        gy2 = gtbuf[3, pl.ds(rel, L)]
        area2 = (gx2 - gx1) * (gy2 - gy1)

        def box_step(t, carry):
            ovb, unb = carry
            jt = t * U
            for u in range(U):
                j = jt + u
                x1 = plsc.load_gather(buf, [hx1 ^ j])
                y1 = plsc.load_gather(buf, [hy1 ^ j])
                x2 = plsc.load_gather(buf, [hx2 ^ j])
                y2 = plsc.load_gather(buf, [hy2 ^ j])
                a1 = (x2 - x1) * (y2 - y1)
                ltx = jnp.maximum(x1, gx1)
                lty = jnp.maximum(y1, gy1)
                rbx = jnp.minimum(x2, gx2)
                rby = jnp.minimum(y2, gy2)
                wx = jnp.maximum(rbx - ltx, _f32(0.0))
                wy = jnp.maximum(rby - lty, _f32(0.0))
                ov = wx * wy
                un = jnp.maximum(a1 + area2 - ov, _f32(1e-6))
                better = ov * unb > ovb * un
                ovb = jnp.where(better, ov, ovb)
                unb = jnp.where(better, un, unb)
            return ovb, unb

        ovb, unb = lax.fori_loop(
            0, P // U, box_step,
            (jnp.zeros((L,), _f32), jnp.ones((L,), _f32)))

        m = ovb / unb
        bins = (m / _f32(0.02)).astype(_i32)
        bins = jnp.minimum(bins, NBINS - 1)
        plsc.addupdate_scatter(histbuf, [bins, idx16], c0 + valid)
        return sumvec + m * valid.astype(_f32)

    bufs = (buf0, buf1, buf2, buf3)
    sems = (sem0, sem1, sem2, sem3)
    NB = len(bufs)
    for b in range(NB):
        dma_start(b, bufs[b], sems[b])

    def ring_step(iq, sumvec):
        q = iq * NB
        for b in range(NB):
            lg = q + b
            dma_wait(bufs[b], sems[b])
            sumvec = compute_group(bufs[b], lg, sumvec)

            @pl.when(lg + NB < GMAX)
            def _():
                dma_start(lg + NB, bufs[b], sems[b])
        return sumvec

    sumvec = lax.fori_loop(0, GMAX // NB, ring_step,
                           jnp.zeros((L,), _f32))

    sumbuf[...] = sumvec
    pltpu.sync_copy(histbuf, hist_out.at[wid])
    pltpu.sync_copy(sumbuf, sum_out.at[wid])


@functools.partial(pl.kernel,
                   out_type=(jax.ShapeDtypeStruct((NW, NBINS, L), _i32),
                             jax.ShapeDtypeStruct((NW, L), _f32)),
                   mesh=plsc.VectorSubcoreMesh(core_axis_name="c",
                                               subcore_axis_name="s",
                                               num_cores=NC, num_subcores=NS),
                   scratch_types=[pltpu.VMEM((GWORDS,), _f32),
                                  pltpu.VMEM((GWORDS,), _f32),
                                  pltpu.VMEM((GWORDS,), _f32),
                                  pltpu.VMEM((GWORDS,), _f32),
                                  pltpu.VMEM((4, GMAX * L), _f32),
                                  pltpu.VMEM((NBINS, L), _i32),
                                  pltpu.VMEM((L,), _f32),
                                  pltpu.SemaphoreType.DMA,
                                  pltpu.SemaphoreType.DMA,
                                  pltpu.SemaphoreType.DMA,
                                  pltpu.SemaphoreType.DMA],
                   compiler_params=pltpu.CompilerParams(
                       needs_layout_passes=False,
                       use_tc_tiling_on_sc=False))
def _sc_iou_hist(pb_ref, gt_ref, hist_out, sum_out, buf0, buf1, buf2, buf3,
                 gtbuf, histbuf, sumbuf, sem0, sem1, sem2, sem3):
    _sc_body(pb_ref, gt_ref, hist_out, sum_out, buf0, buf1, buf2, buf3,
             gtbuf, histbuf, sumbuf, sem0, sem1, sem2, sem3)


@jax.jit
def kernel(pseudo_boxes, gt_bboxes):
    pb = pseudo_boxes.reshape(NUM_GT, P, 4).transpose(0, 2, 1).reshape(-1)
    gt = gt_bboxes.reshape(NUM_GT, 4).transpose(1, 0)
    hist, sums = _sc_iou_hist(pb, gt)
    iou_bin = jnp.sum(hist, axis=(0, 2), dtype=_i32)
    mean_iou = jnp.sum(sums) / NUM_GT
    return iou_bin, mean_iou

# --- scband reference (transcript-rebuilt; emitter-appended) ---
"""Pipeline reference for scband-test-p2-b-iou-72954314490246 (READ-ONLY COPY).

The authoritative reference and input builder live on the scoring server;
editing this copy changes nothing except your own understanding.
"""

import jax, jax.numpy as jnp
import numpy as np

NUM_GT = 20000
P = 128

def setup_inputs(seed: int = 0) -> dict:
    key = jax.random.key(seed)
    k1, k2 = jax.random.split(key)
    pseudo_boxes = jax.random.uniform(k1, (1, NUM_GT * P, 4), dtype=jnp.float32)
    gt_bboxes = jax.random.uniform(k2, (1, NUM_GT, 4), dtype=jnp.float32)
    return {"pseudo_boxes": pseudo_boxes, "gt_bboxes": gt_bboxes}


def bbox_overlaps_aligned(b1, b2, eps=1e-6):
    # mmdet bbox_overlaps with is_aligned=True, mode='iou', xyxy format
    area1 = (b1[..., 2] - b1[..., 0]) * (b1[..., 3] - b1[..., 1])
    area2 = (b2[..., 2] - b2[..., 0]) * (b2[..., 3] - b2[..., 1])
    lt = jnp.maximum(b1[..., :2], b2[..., :2])
    rb = jnp.minimum(b1[..., 2:], b2[..., 2:])
    wh = jnp.clip(rb - lt, 0.0, None)
    overlap = wh[..., 0] * wh[..., 1]
    union = area1 + area2 - overlap
    union = jnp.maximum(union, eps)
    return overlap / union


def reference(pseudo_boxes, gt_bboxes):
    # torch.cat over list-of-tensors == concatenate along leading 'list' dim
    gt = gt_bboxes.reshape(-1, 4)
    num_gt = gt.shape[0]
    pb = pseudo_boxes.reshape(num_gt, -1, 4)
    gt_e = jnp.broadcast_to(gt.reshape(num_gt, 1, 4), pb.shape)
    iou1 = bbox_overlaps_aligned(pb, gt_e)
    max_iou = jnp.max(iou1, axis=1)
    sum_iou = jnp.sum(max_iou)
    # histogram into 50 bins of width 0.02; bin==50 folded into 49
    bins = jnp.floor(max_iou / 0.02).astype(jnp.int32)
    bins = jnp.clip(bins, 0, 49)
    iou_bin = jnp.bincount(bins, length=50).astype(jnp.int32)
    mean_iou = sum_iou / num_gt
    return iou_bin, mean_iou

if __name__ == "__main__":
    import jax
    _d = setup_inputs()
    print(jax.jit(kernel)(*tuple(_d.values())))

</pallas_src>

<mosaic_0001>
#map = affine_map<(d0, d1) -> (0)>
#map1 = affine_map<(d0, d1) -> (0, 0)>
#map2 = affine_map<(d0, d1) -> (0, 0, 0)>
module attributes {stable_mosaic.version = 14 : i64} {
  func.func @_sc_iou_hist(%arg0: i32, %arg1: i32, %arg2: memref<10240000xf32, #tpu.memory_space<hbm>>, %arg3: memref<4x20000xf32, #tpu.memory_space<hbm>>, %arg4: memref<32x50x16xi32, #tpu.memory_space<hbm>>, %arg5: memref<32x16xf32, #tpu.memory_space<hbm>>, %arg6: memref<8192xf32, #tpu.memory_space<vmem>>, %arg7: memref<8192xf32, #tpu.memory_space<vmem>>, %arg8: memref<8192xf32, #tpu.memory_space<vmem>>, %arg9: memref<8192xf32, #tpu.memory_space<vmem>>, %arg10: memref<4x640xf32, #tpu.memory_space<vmem>>, %arg11: memref<50x16xi32, #tpu.memory_space<vmem>>, %arg12: memref<16xf32, #tpu.memory_space<vmem>>, %arg13: memref<!tpu.dma_semaphore, #tpu.memory_space<semaphore_mem>>, %arg14: memref<!tpu.dma_semaphore, #tpu.memory_space<semaphore_mem>>, %arg15: memref<!tpu.dma_semaphore, #tpu.memory_space<semaphore_mem>>, %arg16: memref<!tpu.dma_semaphore, #tpu.memory_space<semaphore_mem>>) attributes {dimension_semantics = [#tpu.dimension_semantics<core_parallel>, #tpu.dimension_semantics<subcore_parallel>], iteration_bounds = array<i64: 2, 16>, scalar_prefetch = 0 : i64, scratch_operands = 11 : i64, tpu.core_type = #tpu.core_type<sc_vector_subcore>, window_params = [{transform_indices = #map}, {transform_indices = #map1}, {transform_indices = #map2}, {transform_indices = #map1}]} {
    %mul3A = arith.constant 16 : i32
    %mul3A_0 = arith.muli %arg0, %mul3A : i32
    %add3A = arith.addi %mul3A_0, %arg1 : i32
    %lt3A = arith.constant 2 : i32
    %lt3A_1 = arith.cmpi slt, %add3A, %lt3A : i32
    %convert_element_type3A = arith.extui %lt3A_1 : i1 to i32
    %add3A_2 = arith.constant 39 : i32
    %add3A_3 = arith.addi %add3A_2, %convert_element_type3A : i32
    %mul3A_4 = arith.constant 39 : i32
    %mul3A_5 = arith.muli %add3A, %mul3A_4 : i32
    %min3A = arith.constant 2 : i32
    %min3A_6 = arith.minsi %add3A, %min3A : i32
    %add3A_7 = arith.addi %mul3A_5, %min3A_6 : i32
    %iota3A = tpu.iota {dimensions = array<i32: 0>} : vector<16xi32>
    %broadcast_in_dim3A = arith.constant 0 : i32
    %broadcast_in_dim3A_8 = vector.broadcast %broadcast_in_dim3A : i32 to vector<16xi32>
    %mul3A_9 = arith.constant 16 : i32
    %mul3A_10 = arith.muli %add3A_7, %mul3A_9 : i32
    %min3A_11 = arith.constant 19360 : i32
    %min3A_12 = arith.minsi %mul3A_10, %min3A_11 : i32
    %run_scoped3A = arith.constant 0 : i32
    %run_scoped3A_13 = arith.constant 0 : i32
    "tpu.region"() ({
      %run_scoped3A_386 = tpu.sem_alloc : memref<!tpu.dma_semaphore, #tpu.memory_space<semaphore_mem>>
      %dma_start3A_387 = arith.constant 0 : i32
      %dma_start3A_388 = tpu.memref_slice %arg10[%run_scoped3A_13, %dma_start3A_387] : memref<4x640xf32, #tpu.memory_space<vmem>> -> memref<1x640xf32, #tpu.memory_space<vmem>>
      %dma_start3A_389 = tpu.memref_squeeze %dma_start3A_388 : memref<1x640xf32, #tpu.memory_space<vmem>> -> memref<640xf32, #tpu.memory_space<vmem>>
      %dma_start3A_390 = tpu.memref_slice %arg3[%run_scoped3A, %min3A_12] : memref<4x20000xf32, #tpu.memory_space<hbm>> -> memref<1x640xf32, #tpu.memory_space<hbm>>
      %dma_start3A_391 = tpu.memref_squeeze %dma_start3A_390 : memref<1x640xf32, #tpu.memory_space<hbm>> -> memref<640xf32, #tpu.memory_space<hbm>>
      %dma_start3A_392 = arith.constant 0 : i32
      %dma_start3A_393 = tpu.memref_slice %arg10[%run_scoped3A_13, %dma_start3A_392] : memref<4x640xf32, #tpu.memory_space<vmem>> -> memref<1x640xf32, #tpu.memory_space<vmem>>
      %dma_start3A_394 = tpu.memref_squeeze %dma_start3A_393 : memref<1x640xf32, #tpu.memory_space<vmem>> -> memref<640xf32, #tpu.memory_space<vmem>>
      %dma_start3A_395 = tpu.memref_slice %arg3[%run_scoped3A, %min3A_12] : memref<4x20000xf32, #tpu.memory_space<hbm>> -> memref<1x640xf32, #tpu.memory_space<hbm>>
      %dma_start3A_396 = tpu.memref_squeeze %dma_start3A_395 : memref<1x640xf32, #tpu.memory_space<hbm>> -> memref<640xf32, #tpu.memory_space<hbm>>
      tpu.enqueue_dma source(%dma_start3A_396 : memref<640xf32, #tpu.memory_space<hbm>>) target(%dma_start3A_394 : memref<640xf32, #tpu.memory_space<vmem>>) target_semaphore(%run_scoped3A_386 : memref<!tpu.dma_semaphore, #tpu.memory_space<semaphore_mem>>)
      %dma_wait3A = arith.constant 0 : i32
      %dma_wait3A_397 = tpu.memref_slice %arg10[%run_scoped3A_13, %dma_wait3A] : memref<4x640xf32, #tpu.memory_space<vmem>> -> memref<1x640xf32, #tpu.memory_space<vmem>>
      %dma_wait3A_398 = tpu.memref_squeeze %dma_wait3A_397 : memref<1x640xf32, #tpu.memory_space<vmem>> -> memref<640xf32, #tpu.memory_space<vmem>>
      %dma_wait3A_399 = tpu.memref_slice %arg3[%run_scoped3A, %min3A_12] : memref<4x20000xf32, #tpu.memory_space<hbm>> -> memref<1x640xf32, #tpu.memory_space<hbm>>
      %dma_wait3A_400 = tpu.memref_squeeze %dma_wait3A_399 : memref<1x640xf32, #tpu.memory_space<hbm>> -> memref<640xf32, #tpu.memory_space<hbm>>
      %dma_wait3A_401 = arith.constant 0 : i32
      %dma_wait3A_402 = tpu.memref_slice %arg10[%run_scoped3A_13, %dma_wait3A_401] : memref<4x640xf32, #tpu.memory_space<vmem>> -> memref<1x640xf32, #tpu.memory_space<vmem>>
      %dma_wait3A_403 = tpu.memref_squeeze %dma_wait3A_402 : memref<1x640xf32, #tpu.memory_space<vmem>> -> memref<640xf32, #tpu.memory_space<vmem>>
      %dma_wait3A_404 = tpu.memref_slice %arg3[%run_scoped3A, %min3A_12] : memref<4x20000xf32, #tpu.memory_space<hbm>> -> memref<1x640xf32, #tpu.memory_space<hbm>>
      %dma_wait3A_405 = tpu.memref_squeeze %dma_wait3A_404 : memref<1x640xf32, #tpu.memory_space<hbm>> -> memref<640xf32, #tpu.memory_space<hbm>>
      tpu.wait_dma2 semaphore(%run_scoped3A_386 : memref<!tpu.dma_semaphore, #tpu.memory_space<semaphore_mem>>) src(%dma_wait3A_405 : memref<640xf32, #tpu.memory_space<hbm>>) dst(%dma_wait3A_403 : memref<640xf32, #tpu.memory_space<vmem>>)
      tpu.yield
    }) : () -> ()
    %run_scoped3A_14 = arith.constant 1 : i32
    %run_scoped3A_15 = arith.constant 1 : i32
    "tpu.region"() ({
      %run_scoped3A_386 = tpu.sem_alloc : memref<!tpu.dma_semaphore, #tpu.memory_space<semaphore_mem>>
      %dma_start3A_387 = arith.constant 0 : i32
      %dma_start3A_388 = tpu.memref_slice %arg10[%run_scoped3A_15, %dma_start3A_387] : memref<4x640xf32, #tpu.memory_space<vmem>> -> memref<1x640xf32, #tpu.memory_space<vmem>>
      %dma_start3A_389 = tpu.memref_squeeze %dma_start3A_388 : memref<1x640xf32, #tpu.memory_space<vmem>> -> memref<640xf32, #tpu.memory_space<vmem>>
      %dma_start3A_390 = tpu.memref_slice %arg3[%run_scoped3A_14, %min3A_12] : memref<4x20000xf32, #tpu.memory_space<hbm>> -> memref<1x640xf32, #tpu.memory_space<hbm>>
      %dma_start3A_391 = tpu.memref_squeeze %dma_start3A_390 : memref<1x640xf32, #tpu.memory_space<hbm>> -> memref<640xf32, #tpu.memory_space<hbm>>
      %dma_start3A_392 = arith.constant 0 : i32
      %dma_start3A_393 = tpu.memref_slice %arg10[%run_scoped3A_15, %dma_start3A_392] : memref<4x640xf32, #tpu.memory_space<vmem>> -> memref<1x640xf32, #tpu.memory_space<vmem>>
      %dma_start3A_394 = tpu.memref_squeeze %dma_start3A_393 : memref<1x640xf32, #tpu.memory_space<vmem>> -> memref<640xf32, #tpu.memory_space<vmem>>
      %dma_start3A_395 = tpu.memref_slice %arg3[%run_scoped3A_14, %min3A_12] : memref<4x20000xf32, #tpu.memory_space<hbm>> -> memref<1x640xf32, #tpu.memory_space<hbm>>
      %dma_start3A_396 = tpu.memref_squeeze %dma_start3A_395 : memref<1x640xf32, #tpu.memory_space<hbm>> -> memref<640xf32, #tpu.memory_space<hbm>>
      tpu.enqueue_dma source(%dma_start3A_396 : memref<640xf32, #tpu.memory_space<hbm>>) target(%dma_start3A_394 : memref<640xf32, #tpu.memory_space<vmem>>) target_semaphore(%run_scoped3A_386 : memref<!tpu.dma_semaphore, #tpu.memory_space<semaphore_mem>>)
      %dma_wait3A = arith.constant 0 : i32
      %dma_wait3A_397 = tpu.memref_slice %arg10[%run_scoped3A_15, %dma_wait3A] : memref<4x640xf32, #tpu.memory_space<vmem>> -> memref<1x640xf32, #tpu.memory_space<vmem>>
      %dma_wait3A_398 = tpu.memref_squeeze %dma_wait3A_397 : memref<1x640xf32, #tpu.memory_space<vmem>> -> memref<640xf32, #tpu.memory_space<vmem>>
      %dma_wait3A_399 = tpu.memref_slice %arg3[%run_scoped3A_14, %min3A_12] : memref<4x20000xf32, #tpu.memory_space<hbm>> -> memref<1x640xf32, #tpu.memory_space<hbm>>
      %dma_wait3A_400 = tpu.memref_squeeze %dma_wait3A_399 : memref<1x640xf32, #tpu.memory_space<hbm>> -> memref<640xf32, #tpu.memory_space<hbm>>
      %dma_wait3A_401 = arith.constant 0 : i32
      %dma_wait3A_402 = tpu.memref_slice %arg10[%run_scoped3A_15, %dma_wait3A_401] : memref<4x640xf32, #tpu.memory_space<vmem>> -> memref<1x640xf32, #tpu.memory_space<vmem>>
      %dma_wait3A_403 = tpu.memref_squeeze %dma_wait3A_402 : memref<1x640xf32, #tpu.memory_space<vmem>> -> memref<640xf32, #tpu.memory_space<vmem>>
      %dma_wait3A_404 = tpu.memref_slice %arg3[%run_scoped3A_14, %min3A_12] : memref<4x20000xf32, #tpu.memory_space<hbm>> -> memref<1x640xf32, #tpu.memory_space<hbm>>
      %dma_wait3A_405 = tpu.memref_squeeze %dma_wait3A_404 : memref<1x640xf32, #tpu.memory_space<hbm>> -> memref<640xf32, #tpu.memory_space<hbm>>
      tpu.wait_dma2 semaphore(%run_scoped3A_386 : memref<!tpu.dma_semaphore, #tpu.memory_space<semaphore_mem>>) src(%dma_wait3A_405 : memref<640xf32, #tpu.memory_space<hbm>>) dst(%dma_wait3A_403 : memref<640xf32, #tpu.memory_space<vmem>>)
      tpu.yield
    }) : () -> ()
    %run_scoped3A_16 = arith.constant 2 : i32
    %run_scoped3A_17 = arith.constant 2 : i32
    "tpu.region"() ({
      %run_scoped3A_386 = tpu.sem_alloc : memref<!tpu.dma_semaphore, #tpu.memory_space<semaphore_mem>>
      %dma_start3A_387 = arith.constant 0 : i32
      %dma_start3A_388 = tpu.memref_slice %arg10[%run_scoped3A_17, %dma_start3A_387] : memref<4x640xf32, #tpu.memory_space<vmem>> -> memref<1x640xf32, #tpu.memory_space<vmem>>
      %dma_start3A_389 = tpu.memref_squeeze %dma_start3A_388 : memref<1x640xf32, #tpu.memory_space<vmem>> -> memref<640xf32, #tpu.memory_space<vmem>>
      %dma_start3A_390 = tpu.memref_slice %arg3[%run_scoped3A_16, %min3A_12] : memref<4x20000xf32, #tpu.memory_space<hbm>> -> memref<1x640xf32, #tpu.memory_space<hbm>>
      %dma_start3A_391 = tpu.memref_squeeze %dma_start3A_390 : memref<1x640xf32, #tpu.memory_space<hbm>> -> memref<640xf32, #tpu.memory_space<hbm>>
      %dma_start3A_392 = arith.constant 0 : i32
      %dma_start3A_393 = tpu.memref_slice %arg10[%run_scoped3A_17, %dma_start3A_392] : memref<4x640xf32, #tpu.memory_space<vmem>> -> memref<1x640xf32, #tpu.memory_space<vmem>>
      %dma_start3A_394 = tpu.memref_squeeze %dma_start3A_393 : memref<1x640xf32, #tpu.memory_space<vmem>> -> memref<640xf32, #tpu.memory_space<vmem>>
      %dma_start3A_395 = tpu.memref_slice %arg3[%run_scoped3A_16, %min3A_12] : memref<4x20000xf32, #tpu.memory_space<hbm>> -> memref<1x640xf32, #tpu.memory_space<hbm>>
      %dma_start3A_396 = tpu.memref_squeeze %dma_start3A_395 : memref<1x640xf32, #tpu.memory_space<hbm>> -> memref<640xf32, #tpu.memory_space<hbm>>
      tpu.enqueue_dma source(%dma_start3A_396 : memref<640xf32, #tpu.memory_space<hbm>>) target(%dma_start3A_394 : memref<640xf32, #tpu.memory_space<vmem>>) target_semaphore(%run_scoped3A_386 : memref<!tpu.dma_semaphore, #tpu.memory_space<semaphore_mem>>)
      %dma_wait3A = arith.constant 0 : i32
      %dma_wait3A_397 = tpu.memref_slice %arg10[%run_scoped3A_17, %dma_wait3A] : memref<4x640xf32, #tpu.memory_space<vmem>> -> memref<1x640xf32, #tpu.memory_space<vmem>>
      %dma_wait3A_398 = tpu.memref_squeeze %dma_wait3A_397 : memref<1x640xf32, #tpu.memory_space<vmem>> -> memref<640xf32, #tpu.memory_space<vmem>>
      %dma_wait3A_399 = tpu.memref_slice %arg3[%run_scoped3A_16, %min3A_12] : memref<4x20000xf32, #tpu.memory_space<hbm>> -> memref<1x640xf32, #tpu.memory_space<hbm>>
      %dma_wait3A_400 = tpu.memref_squeeze %dma_wait3A_399 : memref<1x640xf32, #tpu.memory_space<hbm>> -> memref<640xf32, #tpu.memory_space<hbm>>
      %dma_wait3A_401 = arith.constant 0 : i32
      %dma_wait3A_402 = tpu.memref_slice %arg10[%run_scoped3A_17, %dma_wait3A_401] : memref<4x640xf32, #tpu.memory_space<vmem>> -> memref<1x640xf32, #tpu.memory_space<vmem>>
      %dma_wait3A_403 = tpu.memref_squeeze %dma_wait3A_402 : memref<1x640xf32, #tpu.memory_space<vmem>> -> memref<640xf32, #tpu.memory_space<vmem>>
      %dma_wait3A_404 = tpu.memref_slice %arg3[%run_scoped3A_16, %min3A_12] : memref<4x20000xf32, #tpu.memory_space<hbm>> -> memref<1x640xf32, #tpu.memory_space<hbm>>
      %dma_wait3A_405 = tpu.memref_squeeze %dma_wait3A_404 : memref<1x640xf32, #tpu.memory_space<hbm>> -> memref<640xf32, #tpu.memory_space<hbm>>
      tpu.wait_dma2 semaphore(%run_scoped3A_386 : memref<!tpu.dma_semaphore, #tpu.memory_space<semaphore_mem>>) src(%dma_wait3A_405 : memref<640xf32, #tpu.memory_space<hbm>>) dst(%dma_wait3A_403 : memref<640xf32, #tpu.memory_space<vmem>>)
      tpu.yield
    }) : () -> ()
    %run_scoped3A_18 = arith.constant 3 : i32
    %run_scoped3A_19 = arith.constant 3 : i32
    "tpu.region"() ({
      %run_scoped3A_386 = tpu.sem_alloc : memref<!tpu.dma_semaphore, #tpu.memory_space<semaphore_mem>>
      %dma_start3A_387 = arith.constant 0 : i32
      %dma_start3A_388 = tpu.memref_slice %arg10[%run_scoped3A_19, %dma_start3A_387] : memref<4x640xf32, #tpu.memory_space<vmem>> -> memref<1x640xf32, #tpu.memory_space<vmem>>
      %dma_start3A_389 = tpu.memref_squeeze %dma_start3A_388 : memref<1x640xf32, #tpu.memory_space<vmem>> -> memref<640xf32, #tpu.memory_space<vmem>>
      %dma_start3A_390 = tpu.memref_slice %arg3[%run_scoped3A_18, %min3A_12] : memref<4x20000xf32, #tpu.memory_space<hbm>> -> memref<1x640xf32, #tpu.memory_space<hbm>>
      %dma_start3A_391 = tpu.memref_squeeze %dma_start3A_390 : memref<1x640xf32, #tpu.memory_space<hbm>> -> memref<640xf32, #tpu.memory_space<hbm>>
      %dma_start3A_392 = arith.constant 0 : i32
      %dma_start3A_393 = tpu.memref_slice %arg10[%run_scoped3A_19, %dma_start3A_392] : memref<4x640xf32, #tpu.memory_space<vmem>> -> memref<1x640xf32, #tpu.memory_space<vmem>>
      %dma_start3A_394 = tpu.memref_squeeze %dma_start3A_393 : memref<1x640xf32, #tpu.memory_space<vmem>> -> memref<640xf32, #tpu.memory_space<vmem>>
      %dma_start3A_395 = tpu.memref_slice %arg3[%run_scoped3A_18, %min3A_12] : memref<4x20000xf32, #tpu.memory_space<hbm>> -> memref<1x640xf32, #tpu.memory_space<hbm>>
      %dma_start3A_396 = tpu.memref_squeeze %dma_start3A_395 : memref<1x640xf32, #tpu.memory_space<hbm>> -> memref<640xf32, #tpu.memory_space<hbm>>
      tpu.enqueue_dma source(%dma_start3A_396 : memref<640xf32, #tpu.memory_space<hbm>>) target(%dma_start3A_394 : memref<640xf32, #tpu.memory_space<vmem>>) target_semaphore(%run_scoped3A_386 : memref<!tpu.dma_semaphore, #tpu.memory_space<semaphore_mem>>)
      %dma_wait3A = arith.constant 0 : i32
      %dma_wait3A_397 = tpu.memref_slice %arg10[%run_scoped3A_19, %dma_wait3A] : memref<4x640xf32, #tpu.memory_space<vmem>> -> memref<1x640xf32, #tpu.memory_space<vmem>>
      %dma_wait3A_398 = tpu.memref_squeeze %dma_wait3A_397 : memref<1x640xf32, #tpu.memory_space<vmem>> -> memref<640xf32, #tpu.memory_space<vmem>>
      %dma_wait3A_399 = tpu.memref_slice %arg3[%run_scoped3A_18, %min3A_12] : memref<4x20000xf32, #tpu.memory_space<hbm>> -> memref<1x640xf32, #tpu.memory_space<hbm>>
      %dma_wait3A_400 = tpu.memref_squeeze %dma_wait3A_399 : memref<1x640xf32, #tpu.memory_space<hbm>> -> memref<640xf32, #tpu.memory_space<hbm>>
      %dma_wait3A_401 = arith.constant 0 : i32
      %dma_wait3A_402 = tpu.memref_slice %arg10[%run_scoped3A_19, %dma_wait3A_401] : memref<4x640xf32, #tpu.memory_space<vmem>> -> memref<1x640xf32, #tpu.memory_space<vmem>>
      %dma_wait3A_403 = tpu.memref_squeeze %dma_wait3A_402 : memref<1x640xf32, #tpu.memory_space<vmem>> -> memref<640xf32, #tpu.memory_space<vmem>>
      %dma_wait3A_404 = tpu.memref_slice %arg3[%run_scoped3A_18, %min3A_12] : memref<4x20000xf32, #tpu.memory_space<hbm>> -> memref<1x640xf32, #tpu.memory_space<hbm>>
      %dma_wait3A_405 = tpu.memref_squeeze %dma_wait3A_404 : memref<1x640xf32, #tpu.memory_space<hbm>> -> memref<640xf32, #tpu.memory_space<hbm>>
      tpu.wait_dma2 semaphore(%run_scoped3A_386 : memref<!tpu.dma_semaphore, #tpu.memory_space<semaphore_mem>>) src(%dma_wait3A_405 : memref<640xf32, #tpu.memory_space<hbm>>) dst(%dma_wait3A_403 : memref<640xf32, #tpu.memory_space<vmem>>)
      tpu.yield
    }) : () -> ()
    %broadcast_in_dim3A_20 = arith.constant 0 : i32
    %broadcast_in_dim3A_21 = vector.broadcast %broadcast_in_dim3A_20 : i32 to vector<16xi32>
    %swap3A = arith.constant 0 : i32
    %swap3A_22 = arith.index_cast %swap3A : i32 to index
    %swap3A_23 = arith.constant 0 : index
    %swap3A_24 = tpu.vector_load %arg11[%swap3A_22, %swap3A_23] {strides = array<i32>} : memref<50x16xi32, #tpu.memory_space<vmem>>, vector<16xi32>,
    tpu.vector_store %arg11[%swap3A_22, %swap3A_23], %broadcast_in_dim3A_21 {strides = array<i32>} : memref<50x16xi32, #tpu.memory_space<vmem>>, vector<16xi32>,
    %broadcast_in_dim3A_25 = arith.constant 0 : i32
    %broadcast_in_dim3A_26 = vector.broadcast %broadcast_in_dim3A_25 : i32 to vector<16xi32>
    %swap3A_27 = arith.constant 1 : i32
    %swap3A_28 = arith.index_cast %swap3A_27 : i32 to index
    %swap3A_29 = arith.constant 0 : index
    %swap3A_30 = tpu.vector_load %arg11[%swap3A_28, %swap3A_29] {strides = array<i32>} : memref<50x16xi32, #tpu.memory_space<vmem>>, vector<16xi32>,
    tpu.vector_store %arg11[%swap3A_28, %swap3A_29], %broadcast_in_dim3A_26 {strides = array<i32>} : memref<50x16xi32, #tpu.memory_space<vmem>>, vector<16xi32>,
    %broadcast_in_dim3A_31 = arith.constant 0 : i32
    %broadcast_in_dim3A_32 = vector.broadcast %broadcast_in_dim3A_31 : i32 to vector<16xi32>
    %swap3A_33 = arith.constant 2 : i32
    %swap3A_34 = arith.index_cast %swap3A_33 : i32 to index
    %swap3A_35 = arith.constant 0 : index
    %swap3A_36 = tpu.vector_load %arg11[%swap3A_34, %swap3A_35] {strides = array<i32>} : memref<50x16xi32, #tpu.memory_space<vmem>>, vector<16xi32>,
    tpu.vector_store %arg11[%swap3A_34, %swap3A_35], %broadcast_in_dim3A_32 {strides = array<i32>} : memref<50x16xi32, #tpu.memory_space<vmem>>, vector<16xi32>,
    %broadcast_in_dim3A_37 = arith.constant 0 : i32
    %broadcast_in_dim3A_38 = vector.broadcast %broadcast_in_dim3A_37 : i32 to vector<16xi32>
    %swap3A_39 = arith.constant 3 : i32
    %swap3A_40 = arith.index_cast %swap3A_39 : i32 to index
    %swap3A_41 = arith.constant 0 : index
    %swap3A_42 = tpu.vector_load %arg11[%swap3A_40, %swap3A_41] {strides = array<i32>} : memref<50x16xi32, #tpu.memory_space<vmem>>, vector<16xi32>,
    tpu.vector_store %arg11[%swap3A_40, %swap3A_41], %broadcast_in_dim3A_38 {strides = array<i32>} : memref<50x16xi32, #tpu.memory_space<vmem>>, vector<16xi32>,
    %broadcast_in_dim3A_43 = arith.constant 0 : i32
    %broadcast_in_dim3A_44 = vector.broadcast %broadcast_in_dim3A_43 : i32 to vector<16xi32>
    %swap3A_45 = arith.constant 4 : i32
    %swap3A_46 = arith.index_cast %swap3A_45 : i32 to index
    %swap3A_47 = arith.constant 0 : index
    %swap3A_48 = tpu.vector_load %arg11[%swap3A_46, %swap3A_47] {strides = array<i32>} : memref<50x16xi32, #tpu.memory_space<vmem>>, vector<16xi32>,
    tpu.vector_store %arg11[%swap3A_46, %swap3A_47], %broadcast_in_dim3A_44 {strides = array<i32>} : memref<50x16xi32, #tpu.memory_space<vmem>>, vector<16xi32>,
    %broadcast_in_dim3A_49 = arith.constant 0 : i32
    %broadcast_in_dim3A_50 = vector.broadcast %broadcast_in_dim3A_49 : i32 to vector<16xi32>
    %swap3A_51 = arith.constant 5 : i32
    %swap3A_52 = arith.index_cast %swap3A_51 : i32 to index
    %swap3A_53 = arith.constant 0 : index
    %swap3A_54 = tpu.vector_load %arg11[%swap3A_52, %swap3A_53] {strides = array<i32>} : memref<50x16xi32, #tpu.memory_space<vmem>>, vector<16xi32>,
    tpu.vector_store %arg11[%swap3A_52, %swap3A_53], %broadcast_in_dim3A_50 {strides = array<i32>} : memref<50x16xi32, #tpu.memory_space<vmem>>, vector<16xi32>,
    %broadcast_in_dim3A_55 = arith.constant 0 : i32
    %broadcast_in_dim3A_56 = vector.broadcast %broadcast_in_dim3A_55 : i32 to vector<16xi32>
    %swap3A_57 = arith.constant 6 : i32
    %swap3A_58 = arith.index_cast %swap3A_57 : i32 to index
    %swap3A_59 = arith.constant 0 : index
    %swap3A_60 = tpu.vector_load %arg11[%swap3A_58, %swap3A_59] {strides = array<i32>} : memref<50x16xi32, #tpu.memory_space<vmem>>, vector<16xi32>,
    tpu.vector_store %arg11[%swap3A_58, %swap3A_59], %broadcast_in_dim3A_56 {strides = array<i32>} : memref<50x16xi32, #tpu.memory_space<vmem>>, vector<16xi32>,
    %broadcast_in_dim3A_61 = arith.constant 0 : i32
    %broadcast_in_dim3A_62 = vector.broadcast %broadcast_in_dim3A_61 : i32 to vector<16xi32>
    %swap3A_63 = arith.constant 7 : i32
    %swap3A_64 = arith.index_cast %swap3A_63 : i32 to index
    %swap3A_65 = arith.constant 0 : index
    %swap3A_66 = tpu.vector_load %arg11[%swap3A_64, %swap3A_65] {strides = array<i32>} : memref<50x16xi32, #tpu.memory_space<vmem>>, vector<16xi32>,
    tpu.vector_store %arg11[%swap3A_64, %swap3A_65], %broadcast_in_dim3A_62 {strides = array<i32>} : memref<50x16xi32, #tpu.memory_space<vmem>>, vector<16xi32>,
    %broadcast_in_dim3A_67 = arith.constant 0 : i32
    %broadcast_in_dim3A_68 = vector.broadcast %broadcast_in_dim3A_67 : i32 to vector<16xi32>
    %swap3A_69 = arith.constant 8 : i32
    %swap3A_70 = arith.index_cast %swap3A_69 : i32 to index
    %swap3A_71 = arith.constant 0 : index
    %swap3A_72 = tpu.vector_load %arg11[%swap3A_70, %swap3A_71] {strides = array<i32>} : memref<50x16xi32, #tpu.memory_space<vmem>>, vector<16xi32>,
    tpu.vector_store %arg11[%swap3A_70, %swap3A_71], %broadcast_in_dim3A_68 {strides = array<i32>} : memref<50x16xi32, #tpu.memory_space<vmem>>, vector<16xi32>,
    %broadcast_in_dim3A_73 = arith.constant 0 : i32
    %broadcast_in_dim3A_74 = vector.broadcast %broadcast_in_dim3A_73 : i32 to vector<16xi32>
    %swap3A_75 = arith.constant 9 : i32
    %swap3A_76 = arith.index_cast %swap3A_75 : i32 to index
    %swap3A_77 = arith.constant 0 : index
    %swap3A_78 = tpu.vector_load %arg11[%swap3A_76, %swap3A_77] {strides = array<i32>} : memref<50x16xi32, #tpu.memory_space<vmem>>, vector<16xi32>,
    tpu.vector_store %arg11[%swap3A_76, %swap3A_77], %broadcast_in_dim3A_74 {strides = array<i32>} : memref<50x16xi32, #tpu.memory_space<vmem>>, vector<16xi32>,
    %broadcast_in_dim3A_79 = arith.constant 0 : i32
    %broadcast_in_dim3A_80 = vector.broadcast %broadcast_in_dim3A_79 : i32 to vector<16xi32>
    %swap3A_81 = arith.constant 10 : i32
    %swap3A_82 = arith.index_cast %swap3A_81 : i32 to index
    %swap3A_83 = arith.constant 0 : index
    %swap3A_84 = tpu.vector_load %arg11[%swap3A_82, %swap3A_83] {strides = array<i32>} : memref<50x16xi32, #tpu.memory_space<vmem>>, vector<16xi32>,
    tpu.vector_store %arg11[%swap3A_82, %swap3A_83], %broadcast_in_dim3A_80 {strides = array<i32>} : memref<50x16xi32, #tpu.memory_space<vmem>>, vector<16xi32>,
    %broadcast_in_dim3A_85 = arith.constant 0 : i32
    %broadcast_in_dim3A_86 = vector.broadcast %broadcast_in_dim3A_85 : i32 to vector<16xi32>
    %swap3A_87 = arith.constant 11 : i32
    %swap3A_88 = arith.index_cast %swap3A_87 : i32 to index
    %swap3A_89 = arith.constant 0 : index
    %swap3A_90 = tpu.vector_load %arg11[%swap3A_88, %swap3A_89] {strides = array<i32>} : memref<50x16xi32, #tpu.memory_space<vmem>>, vector<16xi32>,
    tpu.vector_store %arg11[%swap3A_88, %swap3A_89], %broadcast_in_dim3A_86 {strides = array<i32>} : memref<50x16xi32, #tpu.memory_space<vmem>>, vector<16xi32>,
    %broadcast_in_dim3A_91 = arith.constant 0 : i32
    %broadcast_in_dim3A_92 = vector.broadcast %broadcast_in_dim3A_91 : i32 to vector<16xi32>
    %swap3A_93 = arith.constant 12 : i32
    %swap3A_94 = arith.index_cast %swap3A_93 : i32 to index
    %swap3A_95 = arith.constant 0 : index
    %swap3A_96 = tpu.vector_load %arg11[%swap3A_94, %swap3A_95] {strides = array<i32>} : memref<50x16xi32, #tpu.memory_space<vmem>>, vector<16xi32>,
    tpu.vector_store %arg11[%swap3A_94, %swap3A_95], %broadcast_in_dim3A_92 {strides = array<i32>} : memref<50x16xi32, #tpu.memory_space<vmem>>, vector<16xi32>,
    %broadcast_in_dim3A_97 = arith.constant 0 : i32
    %broadcast_in_dim3A_98 = vector.broadcast %broadcast_in_dim3A_97 : i32 to vector<16xi32>
    %swap3A_99 = arith.constant 13 : i32
    %swap3A_100 = arith.index_cast %swap3A_99 : i32 to index
    %swap3A_101 = arith.constant 0 : index
    %swap3A_102 = tpu.vector_load %arg11[%swap3A_100, %swap3A_101] {strides = array<i32>} : memref<50x16xi32, #tpu.memory_space<vmem>>, vector<16xi32>,
    tpu.vector_store %arg11[%swap3A_100, %swap3A_101], %broadcast_in_dim3A_98 {strides = array<i32>} : memref<50x16xi32, #tpu.memory_space<vmem>>, vector<16xi32>,
    %broadcast_in_dim3A_103 = arith.constant 0 : i32
    %broadcast_in_dim3A_104 = vector.broadcast %broadcast_in_dim3A_103 : i32 to vector<16xi32>
    %swap3A_105 = arith.constant 14 : i32
    %swap3A_106 = arith.index_cast %swap3A_105 : i32 to index
    %swap3A_107 = arith.constant 0 : index
    %swap3A_108 = tpu.vector_load %arg11[%swap3A_106, %swap3A_107] {strides = array<i32>} : memref<50x16xi32, #tpu.memory_space<vmem>>, vector<16xi32>,
    tpu.vector_store %arg11[%swap3A_106, %swap3A_107], %broadcast_in_dim3A_104 {strides = array<i32>} : memref<50x16xi32, #tpu.memory_space<vmem>>, vector<16xi32>,
    %broadcast_in_dim3A_109 = arith.constant 0 : i32
    %broadcast_in_dim3A_110 = vector.broadcast %broadcast_in_dim3A_109 : i32 to vector<16xi32>
    %swap3A_111 = arith.constant 15 : i32
    %swap3A_112 = arith.index_cast %swap3A_111 : i32 to index
    %swap3A_113 = arith.constant 0 : index
    %swap3A_114 = tpu.vector_load %arg11[%swap3A_112, %swap3A_113] {strides = array<i32>} : memref<50x16xi32, #tpu.memory_space<vmem>>, vector<16xi32>,
    tpu.vector_store %arg11[%swap3A_112, %swap3A_113], %broadcast_in_dim3A_110 {strides = array<i32>} : memref<50x16xi32, #tpu.memory_space<vmem>>, vector<16xi32>,
    %broadcast_in_dim3A_115 = arith.constant 0 : i32
    %broadcast_in_dim3A_116 = vector.broadcast %broadcast_in_dim3A_115 : i32 to vector<16xi32>
    %swap3A_117 = arith.constant 16 : i32
    %swap3A_118 = arith.index_cast %swap3A_117 : i32 to index
    %swap3A_119 = arith.constant 0 : index
    %swap3A_120 = tpu.vector_load %arg11[%swap3A_118, %swap3A_119] {strides = array<i32>} : memref<50x16xi32, #tpu.memory_space<vmem>>, vector<16xi32>,
    tpu.vector_store %arg11[%swap3A_118, %swap3A_119], %broadcast_in_dim3A_116 {strides = array<i32>} : memref<50x16xi32, #tpu.memory_space<vmem>>, vector<16xi32>,
    %broadcast_in_dim3A_121 = arith.constant 0 : i32
    %broadcast_in_dim3A_122 = vector.broadcast %broadcast_in_dim3A_121 : i32 to vector<16xi32>
    %swap3A_123 = arith.constant 17 : i32
    %swap3A_124 = arith.index_cast %swap3A_123 : i32 to index
    %swap3A_125 = arith.constant 0 : index
    %swap3A_126 = tpu.vector_load %arg11[%swap3A_124, %swap3A_125] {strides = array<i32>} : memref<50x16xi32, #tpu.memory_space<vmem>>, vector<16xi32>,
    tpu.vector_store %arg11[%swap3A_124, %swap3A_125], %broadcast_in_dim3A_122 {strides = array<i32>} : memref<50x16xi32, #tpu.memory_space<vmem>>, vector<16xi32>,
    %broadcast_in_dim3A_127 = arith.constant 0 : i32
    %broadcast_in_dim3A_128 = vector.broadcast %broadcast_in_dim3A_127 : i32 to vector<16xi32>
    %swap3A_129 = arith.constant 18 : i32
    %swap3A_130 = arith.index_cast %swap3A_129 : i32 to index
    %swap3A_131 = arith.constant 0 : index
    %swap3A_132 = tpu.vector_load %arg11[%swap3A_130, %swap3A_131] {strides = array<i32>} : memref<50x16xi32, #tpu.memory_space<vmem>>, vector<16xi32>,
    tpu.vector_store %arg11[%swap3A_130, %swap3A_131], %broadcast_in_dim3A_128 {strides = array<i32>} : memref<50x16xi32, #tpu.memory_space<vmem>>, vector<16xi32>,
    %broadcast_in_dim3A_133 = arith.constant 0 : i32
    %broadcast_in_dim3A_134 = vector.broadcast %broadcast_in_dim3A_133 : i32 to vector<16xi32>
    %swap3A_135 = arith.constant 19 : i32
    %swap3A_136 = arith.index_cast %swap3A_135 : i32 to index
    %swap3A_137 = arith.constant 0 : index
    %swap3A_138 = tpu.vector_load %arg11[%swap3A_136, %swap3A_137] {strides = array<i32>} : memref<50x16xi32, #tpu.memory_space<vmem>>, vector<16xi32>,
    tpu.vector_store %arg11[%swap3A_136, %swap3A_137], %broadcast_in_dim3A_134 {strides = array<i32>} : memref<50x16xi32, #tpu.memory_space<vmem>>, vector<16xi32>,
    %broadcast_in_dim3A_139 = arith.constant 0 : i32
    %broadcast_in_dim3A_140 = vector.broadcast %broadcast_in_dim3A_139 : i32 to vector<16xi32>
    %swap3A_141 = arith.constant 20 : i32
    %swap3A_142 = arith.index_cast %swap3A_141 : i32 to index
    %swap3A_143 = arith.constant 0 : index
    %swap3A_144 = tpu.vector_load %arg11[%swap3A_142, %swap3A_143] {strides = array<i32>} : memref<50x16xi32, #tpu.memory_space<vmem>>, vector<16xi32>,
    tpu.vector_store %arg11[%swap3A_142, %swap3A_143], %broadcast_in_dim3A_140 {strides = array<i32>} : memref<50x16xi32, #tpu.memory_space<vmem>>, vector<16xi32>,
    %broadcast_in_dim3A_145 = arith.constant 0 : i32
    %broadcast_in_dim3A_146 = vector.broadcast %broadcast_in_dim3A_145 : i32 to vector<16xi32>
    %swap3A_147 = arith.constant 21 : i32
    %swap3A_148 = arith.index_cast %swap3A_147 : i32 to index
    %swap3A_149 = arith.constant 0 : index
    %swap3A_150 = tpu.vector_load %arg11[%swap3A_148, %swap3A_149] {strides = array<i32>} : memref<50x16xi32, #tpu.memory_space<vmem>>, vector<16xi32>,
    tpu.vector_store %arg11[%swap3A_148, %swap3A_149], %broadcast_in_dim3A_146 {strides = array<i32>} : memref<50x16xi32, #tpu.memory_space<vmem>>, vector<16xi32>,
    %broadcast_in_dim3A_151 = arith.constant 0 : i32
    %broadcast_in_dim3A_152 = vector.broadcast %broadcast_in_dim3A_151 : i32 to vector<16xi32>
    %swap3A_153 = arith.constant 22 : i32
    %swap3A_154 = arith.index_cast %swap3A_153 : i32 to index
    %swap3A_155 = arith.constant 0 : index
    %swap3A_156 = tpu.vector_load %arg11[%swap3A_154, %swap3A_155] {strides = array<i32>} : memref<50x16xi32, #tpu.memory_space<vmem>>, vector<16xi32>,
    tpu.vector_store %arg11[%swap3A_154, %swap3A_155], %broadcast_in_dim3A_152 {strides = array<i32>} : memref<50x16xi32, #tpu.memory_space<vmem>>, vector<16xi32>,
    %broadcast_in_dim3A_157 = arith.constant 0 : i32
    %broadcast_in_dim3A_158 = vector.broadcast %broadcast_in_dim3A_157 : i32 to vector<16xi32>
    %swap3A_159 = arith.constant 23 : i32
    %swap3A_160 = arith.index_cast %swap3A_159 : i32 to index
    %swap3A_161 = arith.constant 0 : index
    %swap3A_162 = tpu.vector_load %arg11[%swap3A_160, %swap3A_161] {strides = array<i32>} : memref<50x16xi32, #tpu.memory_space<vmem>>, vector<16xi32>,
    tpu.vector_store %arg11[%swap3A_160, %swap3A_161], %broadcast_in_dim3A_158 {strides = array<i32>} : memref<50x16xi32, #tpu.memory_space<vmem>>, vector<16xi32>,
    %broadcast_in_dim3A_163 = arith.constant 0 : i32
    %broadcast_in_dim3A_164 = vector.broadcast %broadcast_in_dim3A_163 : i32 to vector<16xi32>
    %swap3A_165 = arith.constant 24 : i32
    %swap3A_166 = arith.index_cast %swap3A_165 : i32 to index
    %swap3A_167 = arith.constant 0 : index
    %swap3A_168 = tpu.vector_load %arg11[%swap3A_166, %swap3A_167] {strides = array<i32>} : memref<50x16xi32, #tpu.memory_space<vmem>>, vector<16xi32>,
    tpu.vector_store %arg11[%swap3A_166, %swap3A_167], %broadcast_in_dim3A_164 {strides = array<i32>} : memref<50x16xi32, #tpu.memory_space<vmem>>, vector<16xi32>,
    %broadcast_in_dim3A_169 = arith.constant 0 : i32
    %broadcast_in_dim3A_170 = vector.broadcast %broadcast_in_dim3A_169 : i32 to vector<16xi32>
    %swap3A_171 = arith.constant 25 : i32
    %swap3A_172 = arith.index_cast %swap3A_171 : i32 to index
    %swap3A_173 = arith.constant 0 : index
    %swap3A_174 = tpu.vector_load %arg11[%swap3A_172, %swap3A_173] {strides = array<i32>} : memref<50x16xi32, #tpu.memory_space<vmem>>, vector<16xi32>,
    tpu.vector_store %arg11[%swap3A_172, %swap3A_173], %broadcast_in_dim3A_170 {strides = array<i32>} : memref<50x16xi32, #tpu.memory_space<vmem>>, vector<16xi32>,
    %broadcast_in_dim3A_175 = arith.constant 0 : i32
    %broadcast_in_dim3A_176 = vector.broadcast %broadcast_in_dim3A_175 : i32 to vector<16xi32>
    %swap3A_177 = arith.constant 26 : i32
    %swap3A_178 = arith.index_cast %swap3A_177 : i32 to index
    %swap3A_179 = arith.constant 0 : index
    %swap3A_180 = tpu.vector_load %arg11[%swap3A_178, %swap3A_179] {strides = array<i32>} : memref<50x16xi32, #tpu.memory_space<vmem>>, vector<16xi32>,
    tpu.vector_store %arg11[%swap3A_178, %swap3A_179], %broadcast_in_dim3A_176 {strides = array<i32>} : memref<50x16xi32, #tpu.memory_space<vmem>>, vector<16xi32>,
    %broadcast_in_dim3A_181 = arith.constant 0 : i32
    %broadcast_in_dim3A_182 = vector.broadcast %broadcast_in_dim3A_181 : i32 to vector<16xi32>
    %swap3A_183 = arith.constant 27 : i32
    %swap3A_184 = arith.index_cast %swap3A_183 : i32 to index
    %swap3A_185 = arith.constant 0 : index
    %swap3A_186 = tpu.vector_load %arg11[%swap3A_184, %swap3A_185] {strides = array<i32>} : memref<50x16xi32, #tpu.memory_space<vmem>>, vector<16xi32>,
    tpu.vector_store %arg11[%swap3A_184, %swap3A_185], %broadcast_in_dim3A_182 {strides = array<i32>} : memref<50x16xi32, #tpu.memory_space<vmem>>, vector<16xi32>,
    %broadcast_in_dim3A_187 = arith.constant 0 : i32
    %broadcast_in_dim3A_188 = vector.broadcast %broadcast_in_dim3A_187 : i32 to vector<16xi32>
    %swap3A_189 = arith.constant 28 : i32
    %swap3A_190 = arith.index_cast %swap3A_189 : i32 to index
    %swap3A_191 = arith.constant 0 : index
    %swap3A_192 = tpu.vector_load %arg11[%swap3A_190, %swap3A_191] {strides = array<i32>} : memref<50x16xi32, #tpu.memory_space<vmem>>, vector<16xi32>,
    tpu.vector_store %arg11[%swap3A_190, %swap3A_191], %broadcast_in_dim3A_188 {strides = array<i32>} : memref<50x16xi32, #tpu.memory_space<vmem>>, vector<16xi32>,
    %broadcast_in_dim3A_193 = arith.constant 0 : i32
    %broadcast_in_dim3A_194 = vector.broadcast %broadcast_in_dim3A_193 : i32 to vector<16xi32>
    %swap3A_195 = arith.constant 29 : i32
    %swap3A_196 = arith.index_cast %swap3A_195 : i32 to index
    %swap3A_197 = arith.constant 0 : index
    %swap3A_198 = tpu.vector_load %arg11[%swap3A_196, %swap3A_197] {strides = array<i32>} : memref<50x16xi32, #tpu.memory_space<vmem>>, vector<16xi32>,
    tpu.vector_store %arg11[%swap3A_196, %swap3A_197], %broadcast_in_dim3A_194 {strides = array<i32>} : memref<50x16xi32, #tpu.memory_space<vmem>>, vector<16xi32>,
    %broadcast_in_dim3A_199 = arith.constant 0 : i32
    %broadcast_in_dim3A_200 = vector.broadcast %broadcast_in_dim3A_199 : i32 to vector<16xi32>
    %swap3A_201 = arith.constant 30 : i32
    %swap3A_202 = arith.index_cast %swap3A_201 : i32 to index
    %swap3A_203 = arith.constant 0 : index
    %swap3A_204 = tpu.vector_load %arg11[%swap3A_202, %swap3A_203] {strides = array<i32>} : memref<50x16xi32, #tpu.memory_space<vmem>>, vector<16xi32>,
    tpu.vector_store %arg11[%swap3A_202, %swap3A_203], %broadcast_in_dim3A_200 {strides = array<i32>} : memref<50x16xi32, #tpu.memory_space<vmem>>, vector<16xi32>,
    %broadcast_in_dim3A_205 = arith.constant 0 : i32
    %broadcast_in_dim3A_206 = vector.broadcast %broadcast_in_dim3A_205 : i32 to vector<16xi32>
    %swap3A_207 = arith.constant 31 : i32
    %swap3A_208 = arith.index_cast %swap3A_207 : i32 to index
    %swap3A_209 = arith.constant 0 : index
    %swap3A_210 = tpu.vector_load %arg11[%swap3A_208, %swap3A_209] {strides = array<i32>} : memref<50x16xi32, #tpu.memory_space<vmem>>, vector<16xi32>,
    tpu.vector_store %arg11[%swap3A_208, %swap3A_209], %broadcast_in_dim3A_206 {strides = array<i32>} : memref<50x16xi32, #tpu.memory_space<vmem>>, vector<16xi32>,
    %broadcast_in_dim3A_211 = arith.constant 0 : i32
    %broadcast_in_dim3A_212 = vector.broadcast %broadcast_in_dim3A_211 : i32 to vector<16xi32>
    %swap3A_213 = arith.constant 32 : i32
    %swap3A_214 = arith.index_cast %swap3A_213 : i32 to index
    %swap3A_215 = arith.constant 0 : index
    %swap3A_216 = tpu.vector_load %arg11[%swap3A_214, %swap3A_215] {strides = array<i32>} : memref<50x16xi32, #tpu.memory_space<vmem>>, vector<16xi32>,
    tpu.vector_store %arg11[%swap3A_214, %swap3A_215], %broadcast_in_dim3A_212 {strides = array<i32>} : memref<50x16xi32, #tpu.memory_space<vmem>>, vector<16xi32>,
    %broadcast_in_dim3A_217 = arith.constant 0 : i32
    %broadcast_in_dim3A_218 = vector.broadcast %broadcast_in_dim3A_217 : i32 to vector<16xi32>
    %swap3A_219 = arith.constant 33 : i32
    %swap3A_220 = arith.index_cast %swap3A_219 : i32 to index
    %swap3A_221 = arith.constant 0 : index
    %swap3A_222 = tpu.vector_load %arg11[%swap3A_220, %swap3A_221] {strides = array<i32>} : memref<50x16xi32, #tpu.memory_space<vmem>>, vector<16xi32>,
    tpu.vector_store %arg11[%swap3A_220, %swap3A_221], %broadcast_in_dim3A_218 {strides = array<i32>} : memref<50x16xi32, #tpu.memory_space<vmem>>, vector<16xi32>,
    %broadcast_in_dim3A_223 = arith.constant 0 : i32
    %broadcast_in_dim3A_224 = vector.broadcast %broadcast_in_dim3A_223 : i32 to vector<16xi32>
    %swap3A_225 = arith.constant 34 : i32
    %swap3A_226 = arith.index_cast %swap3A_225 : i32 to index
    %swap3A_227 = arith.constant 0 : index
    %swap3A_228 = tpu.vector_load %arg11[%swap3A_226, %swap3A_227] {strides = array<i32>} : memref<50x16xi32, #tpu.memory_space<vmem>>, vector<16xi32>,
    tpu.vector_store %arg11[%swap3A_226, %swap3A_227], %broadcast_in_dim3A_224 {strides = array<i32>} : memref<50x16xi32, #tpu.memory_space<vmem>>, vector<16xi32>,
    %broadcast_in_dim3A_229 = arith.constant 0 : i32
    %broadcast_in_dim3A_230 = vector.broadcast %broadcast_in_dim3A_229 : i32 to vector<16xi32>
    %swap3A_231 = arith.constant 35 : i32
    %swap3A_232 = arith.index_cast %swap3A_231 : i32 to index
    %swap3A_233 = arith.constant 0 : index
    %swap3A_234 = tpu.vector_load %arg11[%swap3A_232, %swap3A_233] {strides = array<i32>} : memref<50x16xi32, #tpu.memory_space<vmem>>, vector<16xi32>,
    tpu.vector_store %arg11[%swap3A_232, %swap3A_233], %broadcast_in_dim3A_230 {strides = array<i32>} : memref<50x16xi32, #tpu.memory_space<vmem>>, vector<16xi32>,
    %broadcast_in_dim3A_235 = arith.constant 0 : i32
    %broadcast_in_dim3A_236 = vector.broadcast %broadcast_in_dim3A_235 : i32 to vector<16xi32>
    %swap3A_237 = arith.constant 36 : i32
    %swap3A_238 = arith.index_cast %swap3A_237 : i32 to index
    %swap3A_239 = arith.constant 0 : index
    %swap3A_240 = tpu.vector_load %arg11[%swap3A_238, %swap3A_239] {strides = array<i32>} : memref<50x16xi32, #tpu.memory_space<vmem>>, vector<16xi32>,
    tpu.vector_store %arg11[%swap3A_238, %swap3A_239], %broadcast_in_dim3A_236 {strides = array<i32>} : memref<50x16xi32, #tpu.memory_space<vmem>>, vector<16xi32>,
    %broadcast_in_dim3A_241 = arith.constant 0 : i32
    %broadcast_in_dim3A_242 = vector.broadcast %broadcast_in_dim3A_241 : i32 to vector<16xi32>
    %swap3A_243 = arith.constant 37 : i32
    %swap3A_244 = arith.index_cast %swap3A_243 : i32 to index
    %swap3A_245 = arith.constant 0 : index
    %swap3A_246 = tpu.vector_load %arg11[%swap3A_244, %swap3A_245] {strides = array<i32>} : memref<50x16xi32, #tpu.memory_space<vmem>>, vector<16xi32>,
    tpu.vector_store %arg11[%swap3A_244, %swap3A_245], %broadcast_in_dim3A_242 {strides = array<i32>} : memref<50x16xi32, #tpu.memory_space<vmem>>, vector<16xi32>,
    %broadcast_in_dim3A_247 = arith.constant 0 : i32
    %broadcast_in_dim3A_248 = vector.broadcast %broadcast_in_dim3A_247 : i32 to vector<16xi32>
    %swap3A_249 = arith.constant 38 : i32
    %swap3A_250 = arith.index_cast %swap3A_249 : i32 to index
    %swap3A_251 = arith.constant 0 : index
    %swap3A_252 = tpu.vector_load %arg11[%swap3A_250, %swap3A_251] {strides = array<i32>} : memref<50x16xi32, #tpu.memory_space<vmem>>, vector<16xi32>,
    tpu.vector_store %arg11[%swap3A_250, %swap3A_251], %broadcast_in_dim3A_248 {strides = array<i32>} : memref<50x16xi32, #tpu.memory_space<vmem>>, vector<16xi32>,
    %broadcast_in_dim3A_253 = arith.constant 0 : i32
    %broadcast_in_dim3A_254 = vector.broadcast %broadcast_in_dim3A_253 : i32 to vector<16xi32>
    %swap3A_255 = arith.constant 39 : i32
    %swap3A_256 = arith.index_cast %swap3A_255 : i32 to index
    %swap3A_257 = arith.constant 0 : index
    %swap3A_258 = tpu.vector_load %arg11[%swap3A_256, %swap3A_257] {strides = array<i32>} : memref<50x16xi32, #tpu.memory_space<vmem>>, vector<16xi32>,
    tpu.vector_store %arg11[%swap3A_256, %swap3A_257], %broadcast_in_dim3A_254 {strides = array<i32>} : memref<50x16xi32, #tpu.memory_space<vmem>>, vector<16xi32>,
    %broadcast_in_dim3A_259 = arith.constant 0 : i32
    %broadcast_in_dim3A_260 = vector.broadcast %broadcast_in_dim3A_259 : i32 to vector<16xi32>
    %swap3A_261 = arith.constant 40 : i32
    %swap3A_262 = arith.index_cast %swap3A_261 : i32 to index
    %swap3A_263 = arith.constant 0 : index
    %swap3A_264 = tpu.vector_load %arg11[%swap3A_262, %swap3A_263] {strides = array<i32>} : memref<50x16xi32, #tpu.memory_space<vmem>>, vector<16xi32>,
    tpu.vector_store %arg11[%swap3A_262, %swap3A_263], %broadcast_in_dim3A_260 {strides = array<i32>} : memref<50x16xi32, #tpu.memory_space<vmem>>, vector<16xi32>,
    %broadcast_in_dim3A_265 = arith.constant 0 : i32
    %broadcast_in_dim3A_266 = vector.broadcast %broadcast_in_dim3A_265 : i32 to vector<16xi32>
    %swap3A_267 = arith.constant 41 : i32
    %swap3A_268 = arith.index_cast %swap3A_267 : i32 to index
    %swap3A_269 = arith.constant 0 : index
    %swap3A_270 = tpu.vector_load %arg11[%swap3A_268, %swap3A_269] {strides = array<i32>} : memref<50x16xi32, #tpu.memory_space<vmem>>, vector<16xi32>,
    tpu.vector_store %arg11[%swap3A_268, %swap3A_269], %broadcast_in_dim3A_266 {strides = array<i32>} : memref<50x16xi32, #tpu.memory_space<vmem>>, vector<16xi32>,
    %broadcast_in_dim3A_271 = arith.constant 0 : i32
    %broadcast_in_dim3A_272 = vector.broadcast %broadcast_in_dim3A_271 : i32 to vector<16xi32>
    %swap3A_273 = arith.constant 42 : i32
    %swap3A_274 = arith.index_cast %swap3A_273 : i32 to index
    %swap3A_275 = arith.constant 0 : index
    %swap3A_276 = tpu.vector_load %arg11[%swap3A_274, %swap3A_275] {strides = array<i32>} : memref<50x16xi32, #tpu.memory_space<vmem>>, vector<16xi32>,
    tpu.vector_store %arg11[%swap3A_274, %swap3A_275], %broadcast_in_dim3A_272 {strides = array<i32>} : memref<50x16xi32, #tpu.memory_space<vmem>>, vector<16xi32>,
    %broadcast_in_dim3A_277 = arith.constant 0 : i32
    %broadcast_in_dim3A_278 = vector.broadcast %broadcast_in_dim3A_277 : i32 to vector<16xi32>
    %swap3A_279 = arith.constant 43 : i32
    %swap3A_280 = arith.index_cast %swap3A_279 : i32 to index
    %swap3A_281 = arith.constant 0 : index
    %swap3A_282 = tpu.vector_load %arg11[%swap3A_280, %swap3A_281] {strides = array<i32>} : memref<50x16xi32, #tpu.memory_space<vmem>>, vector<16xi32>,
    tpu.vector_store %arg11[%swap3A_280, %swap3A_281], %broadcast_in_dim3A_278 {strides = array<i32>} : memref<50x16xi32, #tpu.memory_space<vmem>>, vector<16xi32>,
    %broadcast_in_dim3A_283 = arith.constant 0 : i32
    %broadcast_in_dim3A_284 = vector.broadcast %broadcast_in_dim3A_283 : i32 to vector<16xi32>
    %swap3A_285 = arith.constant 44 : i32
    %swap3A_286 = arith.index_cast %swap3A_285 : i32 to index
    %swap3A_287 = arith.constant 0 : index
    %swap3A_288 = tpu.vector_load %arg11[%swap3A_286, %swap3A_287] {strides = array<i32>} : memref<50x16xi32, #tpu.memory_space<vmem>>, vector<16xi32>,
    tpu.vector_store %arg11[%swap3A_286, %swap3A_287], %broadcast_in_dim3A_284 {strides = array<i32>} : memref<50x16xi32, #tpu.memory_space<vmem>>, vector<16xi32>,
    %broadcast_in_dim3A_289 = arith.constant 0 : i32
    %broadcast_in_dim3A_290 = vector.broadcast %broadcast_in_dim3A_289 : i32 to vector<16xi32>
    %swap3A_291 = arith.constant 45 : i32
    %swap3A_292 = arith.index_cast %swap3A_291 : i32 to index
    %swap3A_293 = arith.constant 0 : index
    %swap3A_294 = tpu.vector_load %arg11[%swap3A_292, %swap3A_293] {strides = array<i32>} : memref<50x16xi32, #tpu.memory_space<vmem>>, vector<16xi32>,
    tpu.vector_store %arg11[%swap3A_292, %swap3A_293], %broadcast_in_dim3A_290 {strides = array<i32>} : memref<50x16xi32, #tpu.memory_space<vmem>>, vector<16xi32>,
    %broadcast_in_dim3A_295 = arith.constant 0 : i32
    %broadcast_in_dim3A_296 = vector.broadcast %broadcast_in_dim3A_295 : i32 to vector<16xi32>
    %swap3A_297 = arith.constant 46 : i32
    %swap3A_298 = arith.index_cast %swap3A_297 : i32 to index
    %swap3A_299 = arith.constant 0 : index
    %swap3A_300 = tpu.vector_load %arg11[%swap3A_298, %swap3A_299] {strides = array<i32>} : memref<50x16xi32, #tpu.memory_space<vmem>>, vector<16xi32>,
    tpu.vector_store %arg11[%swap3A_298, %swap3A_299], %broadcast_in_dim3A_296 {strides = array<i32>} : memref<50x16xi32, #tpu.memory_space<vmem>>, vector<16xi32>,
    %broadcast_in_dim3A_301 = arith.constant 0 : i32
    %broadcast_in_dim3A_302 = vector.broadcast %broadcast_in_dim3A_301 : i32 to vector<16xi32>
    %swap3A_303 = arith.constant 47 : i32
    %swap3A_304 = arith.index_cast %swap3A_303 : i32 to index
    %swap3A_305 = arith.constant 0 : index
    %swap3A_306 = tpu.vector_load %arg11[%swap3A_304, %swap3A_305] {strides = array<i32>} : memref<50x16xi32, #tpu.memory_space<vmem>>, vector<16xi32>,
    tpu.vector_store %arg11[%swap3A_304, %swap3A_305], %broadcast_in_dim3A_302 {strides = array<i32>} : memref<50x16xi32, #tpu.memory_space<vmem>>, vector<16xi32>,
    %broadcast_in_dim3A_307 = arith.constant 0 : i32
    %broadcast_in_dim3A_308 = vector.broadcast %broadcast_in_dim3A_307 : i32 to vector<16xi32>
    %swap3A_309 = arith.constant 48 : i32
    %swap3A_310 = arith.index_cast %swap3A_309 : i32 to index
    %swap3A_311 = arith.constant 0 : index
    %swap3A_312 = tpu.vector_load %arg11[%swap3A_310, %swap3A_311] {strides = array<i32>} : memref<50x16xi32, #tpu.memory_space<vmem>>, vector<16xi32>,
    tpu.vector_store %arg11[%swap3A_310, %swap3A_311], %broadcast_in_dim3A_308 {strides = array<i32>} : memref<50x16xi32, #tpu.memory_space<vmem>>, vector<16xi32>,
    %broadcast_in_dim3A_313 = arith.constant 0 : i32
    %broadcast_in_dim3A_314 = vector.broadcast %broadcast_in_dim3A_313 : i32 to vector<16xi32>
    %swap3A_315 = arith.constant 49 : i32
    %swap3A_316 = arith.index_cast %swap3A_315 : i32 to index
    %swap3A_317 = arith.constant 0 : index
    %swap3A_318 = tpu.vector_load %arg11[%swap3A_316, %swap3A_317] {strides = array<i32>} : memref<50x16xi32, #tpu.memory_space<vmem>>, vector<16xi32>,
    tpu.vector_store %arg11[%swap3A_316, %swap3A_317], %broadcast_in_dim3A_314 {strides = array<i32>} : memref<50x16xi32, #tpu.memory_space<vmem>>, vector<16xi32>,
    %mul3A_319 = arith.constant 512 : i32
    %mul3A_320 = vector.broadcast %mul3A_319 : i32 to vector<16xi32>
    %mul3A_321 = arith.muli %iota3A, %mul3A_320 : vector<16xi32>
    %xor3A = arith.xori %mul3A_321, %iota3A : vector<16xi32>
    %mul3A_322 = arith.constant 512 : i32
    %mul3A_323 = vector.broadcast %mul3A_322 : i32 to vector<16xi32>
    %mul3A_324 = arith.muli %iota3A, %mul3A_323 : vector<16xi32>
    %add3A_325 = arith.constant 128 : i32
    %add3A_326 = vector.broadcast %add3A_325 : i32 to vector<16xi32>
    %add3A_327 = arith.addi %mul3A_324, %add3A_326 : vector<16xi32>
    %xor3A_328 = arith.xori %add3A_327, %iota3A : vector<16xi32>
    %mul3A_329 = arith.constant 512 : i32
    %mul3A_330 = vector.broadcast %mul3A_329 : i32 to vector<16xi32>
    %mul3A_331 = arith.muli %iota3A, %mul3A_330 : vector<16xi32>
    %add3A_332 = arith.constant 256 : i32
    %add3A_333 = vector.broadcast %add3A_332 : i32 to vector<16xi32>
    %add3A_334 = arith.addi %mul3A_331, %add3A_333 : vector<16xi32>
    %xor3A_335 = arith.xori %add3A_334, %iota3A : vector<16xi32>
    %mul3A_336 = arith.constant 512 : i32
    %mul3A_337 = vector.broadcast %mul3A_336 : i32 to vector<16xi32>
    %mul3A_338 = arith.muli %iota3A, %mul3A_337 : vector<16xi32>
    %add3A_339 = arith.constant 384 : i32
    %add3A_340 = vector.broadcast %add3A_339 : i32 to vector<16xi32>
    %add3A_341 = arith.addi %mul3A_338, %add3A_340 : vector<16xi32>
    %xor3A_342 = arith.xori %add3A_341, %iota3A : vector<16xi32>
    %sub3A = arith.constant 1 : i32
    %sub3A_343 = arith.subi %add3A_3, %sub3A : i32
    %min3A_344 = arith.constant 0 : i32
    %min3A_345 = arith.minsi %min3A_344, %sub3A_343 : i32
    %add3A_346 = arith.addi %add3A_7, %min3A_345 : i32
    %mul3A_347 = arith.constant 8192 : i32
    %mul3A_348 = arith.muli %add3A_346, %mul3A_347 : i32
    %dma_start3A = tpu.memref_slice %arg2[%mul3A_348] : memref<10240000xf32, #tpu.memory_space<hbm>> -> memref<8192xf32, #tpu.memory_space<hbm>>
    %dma_start3A_349 = tpu.memref_slice %arg2[%mul3A_348] : memref<10240000xf32, #tpu.memory_space<hbm>> -> memref<8192xf32, #tpu.memory_space<hbm>>
    tpu.enqueue_dma source(%dma_start3A_349 : memref<8192xf32, #tpu.memory_space<hbm>>) target(%arg6 : memref<8192xf32, #tpu.memory_space<vmem>>) target_semaphore(%arg13 : memref<!tpu.dma_semaphore, #tpu.memory_space<semaphore_mem>>)
    %sub3A_350 = arith.constant 1 : i32
    %sub3A_351 = arith.subi %add3A_3, %sub3A_350 : i32
    %min3A_352 = arith.constant 1 : i32
    %min3A_353 = arith.minsi %min3A_352, %sub3A_351 : i32
    %add3A_354 = arith.addi %add3A_7, %min3A_353 : i32
    %mul3A_355 = arith.constant 8192 : i32
    %mul3A_356 = arith.muli %add3A_354, %mul3A_355 : i32
    %dma_start3A_357 = tpu.memref_slice %arg2[%mul3A_356] : memref<10240000xf32, #tpu.memory_space<hbm>> -> memref<8192xf32, #tpu.memory_space<hbm>>
    %dma_start3A_358 = tpu.memref_slice %arg2[%mul3A_356] : memref<10240000xf32, #tpu.memory_space<hbm>> -> memref<8192xf32, #tpu.memory_space<hbm>>
    tpu.enqueue_dma source(%dma_start3A_358 : memref<8192xf32, #tpu.memory_space<hbm>>) target(%arg7 : memref<8192xf32, #tpu.memory_space<vmem>>) target_semaphore(%arg14 : memref<!tpu.dma_semaphore, #tpu.memory_space<semaphore_mem>>)
    %sub3A_359 = arith.constant 1 : i32
    %sub3A_360 = arith.subi %add3A_3, %sub3A_359 : i32
    %min3A_361 = arith.constant 2 : i32
    %min3A_362 = arith.minsi %min3A_361, %sub3A_360 : i32
    %add3A_363 = arith.addi %add3A_7, %min3A_362 : i32
    %mul3A_364 = arith.constant 8192 : i32
    %mul3A_365 = arith.muli %add3A_363, %mul3A_364 : i32
    %dma_start3A_366 = tpu.memref_slice %arg2[%mul3A_365] : memref<10240000xf32, #tpu.memory_space<hbm>> -> memref<8192xf32, #tpu.memory_space<hbm>>
    %dma_start3A_367 = tpu.memref_slice %arg2[%mul3A_365] : memref<10240000xf32, #tpu.memory_space<hbm>> -> memref<8192xf32, #tpu.memory_space<hbm>>
    tpu.enqueue_dma source(%dma_start3A_367 : memref<8192xf32, #tpu.memory_space<hbm>>) target(%arg8 : memref<8192xf32, #tpu.memory_space<vmem>>) target_semaphore(%arg15 : memref<!tpu.dma_semaphore, #tpu.memory_space<semaphore_mem>>)
    %sub3A_368 = arith.constant 1 : i32
    %sub3A_369 = arith.subi %add3A_3, %sub3A_368 : i32
    %min3A_370 = arith.constant 3 : i32
    %min3A_371 = arith.minsi %min3A_370, %sub3A_369 : i32
    %add3A_372 = arith.addi %add3A_7, %min3A_371 : i32
    %mul3A_373 = arith.constant 8192 : i32
    %mul3A_374 = arith.muli %add3A_372, %mul3A_373 : i32
    %dma_start3A_375 = tpu.memref_slice %arg2[%mul3A_374] : memref<10240000xf32, #tpu.memory_space<hbm>> -> memref<8192xf32, #tpu.memory_space<hbm>>
    %dma_start3A_376 = tpu.memref_slice %arg2[%mul3A_374] : memref<10240000xf32, #tpu.memory_space<hbm>> -> memref<8192xf32, #tpu.memory_space<hbm>>
    tpu.enqueue_dma source(%dma_start3A_376 : memref<8192xf32, #tpu.memory_space<hbm>>) target(%arg9 : memref<8192xf32, #tpu.memory_space<vmem>>) target_semaphore(%arg16 : memref<!tpu.dma_semaphore, #tpu.memory_space<semaphore_mem>>)
    %broadcast_in_dim3A_377 = arith.constant 0.000000e+00 : f32
    %broadcast_in_dim3A_378 = vector.broadcast %broadcast_in_dim3A_377 : f32 to vector<16xf32>
    %scan3A = arith.constant 0 : i32
    %scan3A_379 = arith.constant 10 : i32
    %scan3A_380 = arith.addi %scan3A, %scan3A_379 : i32
    %scan3A_381 = arith.constant 1 : i32
    %scan3A_382 = scf.for %scan3A_386 = %scan3A to %scan3A_380 step %scan3A_381 iter_args(%scan3A_387 = %broadcast_in_dim3A_378) -> (vector<16xf32>)  : i32 {
      %mul3A_388 = arith.constant 4 : i32
      %mul3A_389 = arith.muli %scan3A_386, %mul3A_388 : i32
      %add3A_390 = arith.constant 0 : i32
      %add3A_391 = arith.addi %mul3A_389, %add3A_390 : i32
      %dma_wait3A = arith.constant 0 : i32
      %dma_wait3A_392 = tpu.memref_slice %arg2[%dma_wait3A] : memref<10240000xf32, #tpu.memory_space<hbm>> -> memref<8192xf32, #tpu.memory_space<hbm>>
      %dma_wait3A_393 = arith.constant 0 : i32
      %dma_wait3A_394 = tpu.memref_slice %arg2[%dma_wait3A_393] : memref<10240000xf32, #tpu.memory_space<hbm>> -> memref<8192xf32, #tpu.memory_space<hbm>>
      tpu.wait_dma2 semaphore(%arg13 : memref<!tpu.dma_semaphore, #tpu.memory_space<semaphore_mem>>) src(%dma_wait3A_394 : memref<8192xf32, #tpu.memory_space<hbm>>) dst(%arg6 : memref<8192xf32, #tpu.memory_space<vmem>>)
      %lt3A_395 = arith.cmpi slt, %add3A_391, %add3A_3 : i32
      %convert_element_type3A_396 = arith.extui %lt3A_395 : i1 to i32
      %sub3A_397 = arith.constant 1 : i32
      %sub3A_398 = arith.subi %add3A_3, %sub3A_397 : i32
      %min3A_399 = arith.minsi %add3A_391, %sub3A_398 : i32
      %add3A_400 = arith.addi %add3A_7, %min3A_399 : i32
      %mul3A_401 = arith.constant 16 : i32
      %mul3A_402 = arith.muli %add3A_400, %mul3A_401 : i32
      %sub3A_403 = arith.subi %mul3A_402, %min3A_12 : i32
      %get3A = arith.constant 0 : i32
      %get3A_404 = arith.index_cast %get3A : i32 to index
      %get3A_405 = arith.index_cast %sub3A_403 : i32 to index
      %get3A_406 = tpu.vector_load %arg10[%get3A_404, %get3A_405] {strides = array<i32>} : memref<4x640xf32, #tpu.memory_space<vmem>>, vector<16xf32>,
      %get3A_407 = arith.constant 1 : i32
      %get3A_408 = arith.index_cast %get3A_407 : i32 to index
      %get3A_409 = arith.index_cast %sub3A_403 : i32 to index
      %get3A_410 = tpu.vector_load %arg10[%get3A_408, %get3A_409] {strides = array<i32>} : memref<4x640xf32, #tpu.memory_space<vmem>>, vector<16xf32>,
      %get3A_411 = arith.constant 2 : i32
      %get3A_412 = arith.index_cast %get3A_411 : i32 to index
      %get3A_413 = arith.index_cast %sub3A_403 : i32 to index
      %get3A_414 = tpu.vector_load %arg10[%get3A_412, %get3A_413] {strides = array<i32>} : memref<4x640xf32, #tpu.memory_space<vmem>>, vector<16xf32>,
      %get3A_415 = arith.constant 3 : i32
      %get3A_416 = arith.index_cast %get3A_415 : i32 to index
      %get3A_417 = arith.index_cast %sub3A_403 : i32 to index
      %get3A_418 = tpu.vector_load %arg10[%get3A_416, %get3A_417] {strides = array<i32>} : memref<4x640xf32, #tpu.memory_space<vmem>>, vector<16xf32>,
      %sub3A_419 = arith.subf %get3A_414, %get3A_406 : vector<16xf32>
      %sub3A_420 = arith.subf %get3A_418, %get3A_410 : vector<16xf32>
      %mul3A_421 = arith.mulf %sub3A_419, %sub3A_420 : vector<16xf32>
      %broadcast_in_dim3A_422 = arith.constant 0.000000e+00 : f32
      %broadcast_in_dim3A_423 = vector.broadcast %broadcast_in_dim3A_422 : f32 to vector<16xf32>
      %broadcast_in_dim3A_424 = arith.constant 1.000000e+00 : f32
      %broadcast_in_dim3A_425 = vector.broadcast %broadcast_in_dim3A_424 : f32 to vector<16xf32>
      %scan3A_426 = arith.constant 0 : i32
      %scan3A_427 = arith.constant 128 : i32
      %scan3A_428 = arith.addi %scan3A_426, %scan3A_427 : i32
      %scan3A_429 = arith.constant 1 : i32
      %scan3A_430:2 = scf.for %scan3A_646 = %scan3A_426 to %scan3A_428 step %scan3A_429 iter_args(%scan3A_647 = %broadcast_in_dim3A_423, %scan3A_648 = %broadcast_in_dim3A_425) -> (vector<16xf32>, vector<16xf32>)  : i32 {
        %mul3A_649 = arith.constant 1 : i32
        %mul3A_650 = arith.muli %scan3A_646, %mul3A_649 : i32
        %add3A_651 = arith.constant 0 : i32
        %add3A_652 = arith.addi %mul3A_650, %add3A_651 : i32
        %xor3A_653 = vector.broadcast %add3A_652 : i32 to vector<16xi32>
        %xor3A_654 = arith.xori %xor3A, %xor3A_653 : vector<16xi32>
        %gather3A = tpu.vector_load_idx %arg6[%xor3A_654] : memref<8192xf32, #tpu.memory_space<vmem>>[vector<16xi32>], vector<16xf32>,
        %xor3A_655 = vector.broadcast %add3A_652 : i32 to vector<16xi32>
        %xor3A_656 = arith.xori %xor3A_328, %xor3A_655 : vector<16xi32>
        %gather3A_657 = tpu.vector_load_idx %arg6[%xor3A_656] : memref<8192xf32, #tpu.memory_space<vmem>>[vector<16xi32>], vector<16xf32>,
        %xor3A_658 = vector.broadcast %add3A_652 : i32 to vector<16xi32>
        %xor3A_659 = arith.xori %xor3A_335, %xor3A_658 : vector<16xi32>
        %gather3A_660 = tpu.vector_load_idx %arg6[%xor3A_659] : memref<8192xf32, #tpu.memory_space<vmem>>[vector<16xi32>], vector<16xf32>,
        %xor3A_661 = vector.broadcast %add3A_652 : i32 to vector<16xi32>
        %xor3A_662 = arith.xori %xor3A_342, %xor3A_661 : vector<16xi32>
        %gather3A_663 = tpu.vector_load_idx %arg6[%xor3A_662] : memref<8192xf32, #tpu.memory_space<vmem>>[vector<16xi32>], vector<16xf32>,
        %sub3A_664 = arith.subf %gather3A_660, %gather3A : vector<16xf32>
        %sub3A_665 = arith.subf %gather3A_663, %gather3A_657 : vector<16xf32>
        %mul3A_666 = arith.mulf %sub3A_664, %sub3A_665 : vector<16xf32>
        %max3A = arith.maximumf %gather3A, %get3A_406 : vector<16xf32>
        %max3A_667 = arith.maximumf %gather3A_657, %get3A_410 : vector<16xf32>
        %min3A_668 = arith.minimumf %gather3A_660, %get3A_414 : vector<16xf32>
        %min3A_669 = arith.minimumf %gather3A_663, %get3A_418 : vector<16xf32>
        %sub3A_670 = arith.subf %min3A_668, %max3A : vector<16xf32>
        %max3A_671 = arith.constant 0.000000e+00 : f32
        %max3A_672 = vector.broadcast %max3A_671 : f32 to vector<16xf32>
        %max3A_673 = arith.maximumf %sub3A_670, %max3A_672 : vector<16xf32>
        %sub3A_674 = arith.subf %min3A_669, %max3A_667 : vector<16xf32>
        %max3A_675 = arith.constant 0.000000e+00 : f32
        %max3A_676 = vector.broadcast %max3A_675 : f32 to vector<16xf32>
        %max3A_677 = arith.maximumf %sub3A_674, %max3A_676 : vector<16xf32>
        %mul3A_678 = arith.mulf %max3A_673, %max3A_677 : vector<16xf32>
        %add3A_679 = arith.addf %mul3A_666, %mul3A_421 : vector<16xf32>
        %sub3A_680 = arith.subf %add3A_679, %mul3A_678 : vector<16xf32>
        %max3A_681 = arith.constant 9.99999997E-7 : f32
        %max3A_682 = vector.broadcast %max3A_681 : f32 to vector<16xf32>
        %max3A_683 = arith.maximumf %sub3A_680, %max3A_682 : vector<16xf32>
        %mul3A_684 = arith.mulf %mul3A_678, %scan3A_648 : vector<16xf32>
        %mul3A_685 = arith.mulf %scan3A_647, %max3A_683 : vector<16xf32>
        %gt3A = arith.cmpf ogt, %mul3A_684, %mul3A_685 : vector<16xf32>
        %select_n3A = arith.select %gt3A, %mul3A_678, %scan3A_647 : vector<16xi1>, vector<16xf32>
        %select_n3A_686 = arith.select %gt3A, %max3A_683, %scan3A_648 : vector<16xi1>, vector<16xf32>
        scf.yield %select_n3A, %select_n3A_686 : vector<16xf32>, vector<16xf32>
      }
      %scan3A_431 = arith.constant 128 : i32
      %div3A = arith.divf %scan3A_430#0, %scan3A_430#1 : vector<16xf32>
      %div3A_432 = arith.constant 2.000000e-02 : f32
      %div3A_433 = vector.broadcast %div3A_432 : f32 to vector<16xf32>
      %div3A_434 = arith.divf %div3A, %div3A_433 : vector<16xf32>
      %convert_element_type3A_435 = arith.fptosi %div3A_434 : vector<16xf32> to vector<16xi32>
      %min3A_436 = arith.constant 49 : i32
      %min3A_437 = vector.broadcast %min3A_436 : i32 to vector<16xi32>
      %min3A_438 = arith.minsi %convert_element_type3A_435, %min3A_437 : vector<16xi32>
      %add3A_439 = vector.broadcast %convert_element_type3A_396 : i32 to vector<16xi32>
      %add3A_440 = arith.addi %broadcast_in_dim3A_8, %add3A_439 : vector<16xi32>
      tpu.vector_store_idx %arg11[%min3A_438, %iota3A], %add3A_440 {add = true} : memref<50x16xi32, #tpu.memory_space<vmem>>[vector<16xi32>, vector<16xi32>], vector<16xi32>,
      %convert_element_type3A_441 = arith.sitofp %convert_element_type3A_396 : i32 to f32
      %mul3A_442 = vector.broadcast %convert_element_type3A_441 : f32 to vector<16xf32>
      %mul3A_443 = arith.mulf %div3A, %mul3A_442 : vector<16xf32>
      %add3A_444 = arith.addf %scan3A_387, %mul3A_443 : vector<16xf32>
      %add3A_445 = arith.constant 4 : i32
      %add3A_446 = arith.addi %add3A_391, %add3A_445 : i32
      %lt3A_447 = arith.constant 40 : i32
      %lt3A_448 = arith.cmpi slt, %add3A_446, %lt3A_447 : i32
      %convert_element_type3A_449 = arith.extui %lt3A_448 : i1 to i32
      %cond3A = arith.constant 0 : i32
      %cond3A_450 = arith.cmpi ne, %convert_element_type3A_449, %cond3A : i32
      scf.if %cond3A_450 {
        %add3A_646 = arith.constant 4 : i32
        %add3A_647 = arith.addi %add3A_391, %add3A_646 : i32
        %sub3A_648 = arith.constant 1 : i32
        %sub3A_649 = arith.subi %add3A_3, %sub3A_648 : i32
        %min3A_650 = arith.minsi %add3A_647, %sub3A_649 : i32
        %add3A_651 = arith.addi %add3A_7, %min3A_650 : i32
        %mul3A_652 = arith.constant 8192 : i32
        %mul3A_653 = arith.muli %add3A_651, %mul3A_652 : i32
        %dma_start3A_654 = tpu.memref_slice %arg2[%mul3A_653] : memref<10240000xf32, #tpu.memory_space<hbm>> -> memref<8192xf32, #tpu.memory_space<hbm>>
        %dma_start3A_655 = tpu.memref_slice %arg2[%mul3A_653] : memref<10240000xf32, #tpu.memory_space<hbm>> -> memref<8192xf32, #tpu.memory_space<hbm>>
        tpu.enqueue_dma source(%dma_start3A_655 : memref<8192xf32, #tpu.memory_space<hbm>>) target(%arg6 : memref<8192xf32, #tpu.memory_space<vmem>>) target_semaphore(%arg13 : memref<!tpu.dma_semaphore, #tpu.memory_space<semaphore_mem>>)
      } else {
      }
      %add3A_451 = arith.constant 1 : i32
      %add3A_452 = arith.addi %mul3A_389, %add3A_451 : i32
      %dma_wait3A_453 = arith.constant 0 : i32
      %dma_wait3A_454 = tpu.memref_slice %arg2[%dma_wait3A_453] : memref<10240000xf32, #tpu.memory_space<hbm>> -> memref<8192xf32, #tpu.memory_space<hbm>>
      %dma_wait3A_455 = arith.constant 0 : i32
      %dma_wait3A_456 = tpu.memref_slice %arg2[%dma_wait3A_455] : memref<10240000xf32, #tpu.memory_space<hbm>> -> memref<8192xf32, #tpu.memory_space<hbm>>
      tpu.wait_dma2 semaphore(%arg14 : memref<!tpu.dma_semaphore, #tpu.memory_space<semaphore_mem>>) src(%dma_wait3A_456 : memref<8192xf32, #tpu.memory_space<hbm>>) dst(%arg7 : memref<8192xf32, #tpu.memory_space<vmem>>)
      %lt3A_457 = arith.cmpi slt, %add3A_452, %add3A_3 : i32
      %convert_element_type3A_458 = arith.extui %lt3A_457 : i1 to i32
      %sub3A_459 = arith.constant 1 : i32
      %sub3A_460 = arith.subi %add3A_3, %sub3A_459 : i32
      %min3A_461 = arith.minsi %add3A_452, %sub3A_460 : i32
      %add3A_462 = arith.addi %add3A_7, %min3A_461 : i32
      %mul3A_463 = arith.constant 16 : i32
      %mul3A_464 = arith.muli %add3A_462, %mul3A_463 : i32
      %sub3A_465 = arith.subi %mul3A_464, %min3A_12 : i32
      %get3A_466 = arith.constant 0 : i32
      %get3A_467 = arith.index_cast %get3A_466 : i32 to index
      %get3A_468 = arith.index_cast %sub3A_465 : i32 to index
      %get3A_469 = tpu.vector_load %arg10[%get3A_467, %get3A_468] {strides = array<i32>} : memref<4x640xf32, #tpu.memory_space<vmem>>, vector<16xf32>,
      %get3A_470 = arith.constant 1 : i32
      %get3A_471 = arith.index_cast %get3A_470 : i32 to index
      %get3A_472 = arith.index_cast %sub3A_465 : i32 to index
      %get3A_473 = tpu.vector_load %arg10[%get3A_471, %get3A_472] {strides = array<i32>} : memref<4x640xf32, #tpu.memory_space<vmem>>, vector<16xf32>,
      %get3A_474 = arith.constant 2 : i32
      %get3A_475 = arith.index_cast %get3A_474 : i32 to index
      %get3A_476 = arith.index_cast %sub3A_465 : i32 to index
      %get3A_477 = tpu.vector_load %arg10[%get3A_475, %get3A_476] {strides = array<i32>} : memref<4x640xf32, #tpu.memory_space<vmem>>, vector<16xf32>,
      %get3A_478 = arith.constant 3 : i32
      %get3A_479 = arith.index_cast %get3A_478 : i32 to index
      %get3A_480 = arith.index_cast %sub3A_465 : i32 to index
      %get3A_481 = tpu.vector_load %arg10[%get3A_479, %get3A_480] {strides = array<i32>} : memref<4x640xf32, #tpu.memory_space<vmem>>, vector<16xf32>,
      %sub3A_482 = arith.subf %get3A_477, %get3A_469 : vector<16xf32>
      %sub3A_483 = arith.subf %get3A_481, %get3A_473 : vector<16xf32>
      %mul3A_484 = arith.mulf %sub3A_482, %sub3A_483 : vector<16xf32>
      %broadcast_in_dim3A_485 = arith.constant 0.000000e+00 : f32
      %broadcast_in_dim3A_486 = vector.broadcast %broadcast_in_dim3A_485 : f32 to vector<16xf32>
      %broadcast_in_dim3A_487 = arith.constant 1.000000e+00 : f32
      %broadcast_in_dim3A_488 = vector.broadcast %broadcast_in_dim3A_487 : f32 to vector<16xf32>
      %scan3A_489 = arith.constant 0 : i32
      %scan3A_490 = arith.constant 128 : i32
      %scan3A_491 = arith.addi %scan3A_489, %scan3A_490 : i32
      %scan3A_492 = arith.constant 1 : i32
      %scan3A_493:2 = scf.for %scan3A_646 = %scan3A_489 to %scan3A_491 step %scan3A_492 iter_args(%scan3A_647 = %broadcast_in_dim3A_486, %scan3A_648 = %broadcast_in_dim3A_488) -> (vector<16xf32>, vector<16xf32>)  : i32 {
        %mul3A_649 = arith.constant 1 : i32
        %mul3A_650 = arith.muli %scan3A_646, %mul3A_649 : i32
        %add3A_651 = arith.constant 0 : i32
        %add3A_652 = arith.addi %mul3A_650, %add3A_651 : i32
        %xor3A_653 = vector.broadcast %add3A_652 : i32 to vector<16xi32>
        %xor3A_654 = arith.xori %xor3A, %xor3A_653 : vector<16xi32>
        %gather3A = tpu.vector_load_idx %arg7[%xor3A_654] : memref<8192xf32, #tpu.memory_space<vmem>>[vector<16xi32>], vector<16xf32>,
        %xor3A_655 = vector.broadcast %add3A_652 : i32 to vector<16xi32>
        %xor3A_656 = arith.xori %xor3A_328, %xor3A_655 : vector<16xi32>
        %gather3A_657 = tpu.vector_load_idx %arg7[%xor3A_656] : memref<8192xf32, #tpu.memory_space<vmem>>[vector<16xi32>], vector<16xf32>,
        %xor3A_658 = vector.broadcast %add3A_652 : i32 to vector<16xi32>
        %xor3A_659 = arith.xori %xor3A_335, %xor3A_658 : vector<16xi32>
        %gather3A_660 = tpu.vector_load_idx %arg7[%xor3A_659] : memref<8192xf32, #tpu.memory_space<vmem>>[vector<16xi32>], vector<16xf32>,
        %xor3A_661 = vector.broadcast %add3A_652 : i32 to vector<16xi32>
        %xor3A_662 = arith.xori %xor3A_342, %xor3A_661 : vector<16xi32>
        %gather3A_663 = tpu.vector_load_idx %arg7[%xor3A_662] : memref<8192xf32, #tpu.memory_space<vmem>>[vector<16xi32>], vector<16xf32>,
        %sub3A_664 = arith.subf %gather3A_660, %gather3A : vector<16xf32>
        %sub3A_665 = arith.subf %gather3A_663, %gather3A_657 : vector<16xf32>
        %mul3A_666 = arith.mulf %sub3A_664, %sub3A_665 : vector<16xf32>
        %max3A = arith.maximumf %gather3A, %get3A_469 : vector<16xf32>
        %max3A_667 = arith.maximumf %gather3A_657, %get3A_473 : vector<16xf32>
        %min3A_668 = arith.minimumf %gather3A_660, %get3A_477 : vector<16xf32>
        %min3A_669 = arith.minimumf %gather3A_663, %get3A_481 : vector<16xf32>
        %sub3A_670 = arith.subf %min3A_668, %max3A : vector<16xf32>
        %max3A_671 = arith.constant 0.000000e+00 : f32
        %max3A_672 = vector.broadcast %max3A_671 : f32 to vector<16xf32>
        %max3A_673 = arith.maximumf %sub3A_670, %max3A_672 : vector<16xf32>
        %sub3A_674 = arith.subf %min3A_669, %max3A_667 : vector<16xf32>
        %max3A_675 = arith.constant 0.000000e+00 : f32
        %max3A_676 = vector.broadcast %max3A_675 : f32 to vector<16xf32>
        %max3A_677 = arith.maximumf %sub3A_674, %max3A_676 : vector<16xf32>
        %mul3A_678 = arith.mulf %max3A_673, %max3A_677 : vector<16xf32>
        %add3A_679 = arith.addf %mul3A_666, %mul3A_484 : vector<16xf32>
        %sub3A_680 = arith.subf %add3A_679, %mul3A_678 : vector<16xf32>
        %max3A_681 = arith.constant 9.99999997E-7 : f32
        %max3A_682 = vector.broadcast %max3A_681 : f32 to vector<16xf32>
        %max3A_683 = arith.maximumf %sub3A_680, %max3A_682 : vector<16xf32>
        %mul3A_684 = arith.mulf %mul3A_678, %scan3A_648 : vector<16xf32>
        %mul3A_685 = arith.mulf %scan3A_647, %max3A_683 : vector<16xf32>
        %gt3A = arith.cmpf ogt, %mul3A_684, %mul3A_685 : vector<16xf32>
        %select_n3A = arith.select %gt3A, %mul3A_678, %scan3A_647 : vector<16xi1>, vector<16xf32>
        %select_n3A_686 = arith.select %gt3A, %max3A_683, %scan3A_648 : vector<16xi1>, vector<16xf32>
        scf.yield %select_n3A, %select_n3A_686 : vector<16xf32>, vector<16xf32>
      }
      %scan3A_494 = arith.constant 128 : i32
      %div3A_495 = arith.divf %scan3A_493#0, %scan3A_493#1 : vector<16xf32>
      %div3A_496 = arith.constant 2.000000e-02 : f32
      %div3A_497 = vector.broadcast %div3A_496 : f32 to vector<16xf32>
      %div3A_498 = arith.divf %div3A_495, %div3A_497 : vector<16xf32>
      %convert_element_type3A_499 = arith.fptosi %div3A_498 : vector<16xf32> to vector<16xi32>
      %min3A_500 = arith.constant 49 : i32
      %min3A_501 = vector.broadcast %min3A_500 : i32 to vector<16xi32>
      %min3A_502 = arith.minsi %convert_element_type3A_499, %min3A_501 : vector<16xi32>
      %add3A_503 = vector.broadcast %convert_element_type3A_458 : i32 to vector<16xi32>
      %add3A_504 = arith.addi %broadcast_in_dim3A_8, %add3A_503 : vector<16xi32>
      tpu.vector_store_idx %arg11[%min3A_502, %iota3A], %add3A_504 {add = true} : memref<50x16xi32, #tpu.memory_space<vmem>>[vector<16xi32>, vector<16xi32>], vector<16xi32>,
      %convert_element_type3A_505 = arith.sitofp %convert_element_type3A_458 : i32 to f32
      %mul3A_506 = vector.broadcast %convert_element_type3A_505 : f32 to vector<16xf32>
      %mul3A_507 = arith.mulf %div3A_495, %mul3A_506 : vector<16xf32>
      %add3A_508 = arith.addf %add3A_444, %mul3A_507 : vector<16xf32>
      %add3A_509 = arith.constant 4 : i32
      %add3A_510 = arith.addi %add3A_452, %add3A_509 : i32
      %lt3A_511 = arith.constant 40 : i32
      %lt3A_512 = arith.cmpi slt, %add3A_510, %lt3A_511 : i32
      %convert_element_type3A_513 = arith.extui %lt3A_512 : i1 to i32
      %cond3A_514 = arith.constant 0 : i32
      %cond3A_515 = arith.cmpi ne, %convert_element_type3A_513, %cond3A_514 : i32
      scf.if %cond3A_515 {
        %add3A_646 = arith.constant 4 : i32
        %add3A_647 = arith.addi %add3A_452, %add3A_646 : i32
        %sub3A_648 = arith.constant 1 : i32
        %sub3A_649 = arith.subi %add3A_3, %sub3A_648 : i32
        %min3A_650 = arith.minsi %add3A_647, %sub3A_649 : i32
        %add3A_651 = arith.addi %add3A_7, %min3A_650 : i32
        %mul3A_652 = arith.constant 8192 : i32
        %mul3A_653 = arith.muli %add3A_651, %mul3A_652 : i32
        %dma_start3A_654 = tpu.memref_slice %arg2[%mul3A_653] : memref<10240000xf32, #tpu.memory_space<hbm>> -> memref<8192xf32, #tpu.memory_space<hbm>>
        %dma_start3A_655 = tpu.memref_slice %arg2[%mul3A_653] : memref<10240000xf32, #tpu.memory_space<hbm>> -> memref<8192xf32, #tpu.memory_space<hbm>>
        tpu.enqueue_dma source(%dma_start3A_655 : memref<8192xf32, #tpu.memory_space<hbm>>) target(%arg7 : memref<8192xf32, #tpu.memory_space<vmem>>) target_semaphore(%arg14 : memref<!tpu.dma_semaphore, #tpu.memory_space<semaphore_mem>>)
      } else {
      }
      %add3A_516 = arith.constant 2 : i32
      %add3A_517 = arith.addi %mul3A_389, %add3A_516 : i32
      %dma_wait3A_518 = arith.constant 0 : i32
      %dma_wait3A_519 = tpu.memref_slice %arg2[%dma_wait3A_518] : memref<10240000xf32, #tpu.memory_space<hbm>> -> memref<8192xf32, #tpu.memory_space<hbm>>
      %dma_wait3A_520 = arith.constant 0 : i32
      %dma_wait3A_521 = tpu.memref_slice %arg2[%dma_wait3A_520] : memref<10240000xf32, #tpu.memory_space<hbm>> -> memref<8192xf32, #tpu.memory_space<hbm>>
      tpu.wait_dma2 semaphore(%arg15 : memref<!tpu.dma_semaphore, #tpu.memory_space<semaphore_mem>>) src(%dma_wait3A_521 : memref<8192xf32, #tpu.memory_space<hbm>>) dst(%arg8 : memref<8192xf32, #tpu.memory_space<vmem>>)
      %lt3A_522 = arith.cmpi slt, %add3A_517, %add3A_3 : i32
      %convert_element_type3A_523 = arith.extui %lt3A_522 : i1 to i32
      %sub3A_524 = arith.constant 1 : i32
      %sub3A_525 = arith.subi %add3A_3, %sub3A_524 : i32
      %min3A_526 = arith.minsi %add3A_517, %sub3A_525 : i32
      %add3A_527 = arith.addi %add3A_7, %min3A_526 : i32
      %mul3A_528 = arith.constant 16 : i32
      %mul3A_529 = arith.muli %add3A_527, %mul3A_528 : i32
      %sub3A_530 = arith.subi %mul3A_529, %min3A_12 : i32
      %get3A_531 = arith.constant 0 : i32
      %get3A_532 = arith.index_cast %get3A_531 : i32 to index
      %get3A_533 = arith.index_cast %sub3A_530 : i32 to index
      %get3A_534 = tpu.vector_load %arg10[%get3A_532, %get3A_533] {strides = array<i32>} : memref<4x640xf32, #tpu.memory_space<vmem>>, vector<16xf32>,
      %get3A_535 = arith.constant 1 : i32
      %get3A_536 = arith.index_cast %get3A_535 : i32 to index
      %get3A_537 = arith.index_cast %sub3A_530 : i32 to index
      %get3A_538 = tpu.vector_load %arg10[%get3A_536, %get3A_537] {strides = array<i32>} : memref<4x640xf32, #tpu.memory_space<vmem>>, vector<16xf32>,
      %get3A_539 = arith.constant 2 : i32
      %get3A_540 = arith.index_cast %get3A_539 : i32 to index
      %get3A_541 = arith.index_cast %sub3A_530 : i32 to index
      %get3A_542 = tpu.vector_load %arg10[%get3A_540, %get3A_541] {strides = array<i32>} : memref<4x640xf32, #tpu.memory_space<vmem>>, vector<16xf32>,
      %get3A_543 = arith.constant 3 : i32
      %get3A_544 = arith.index_cast %get3A_543 : i32 to index
      %get3A_545 = arith.index_cast %sub3A_530 : i32 to index
      %get3A_546 = tpu.vector_load %arg10[%get3A_544, %get3A_545] {strides = array<i32>} : memref<4x640xf32, #tpu.memory_space<vmem>>, vector<16xf32>,
      %sub3A_547 = arith.subf %get3A_542, %get3A_534 : vector<16xf32>
      %sub3A_548 = arith.subf %get3A_546, %get3A_538 : vector<16xf32>
      %mul3A_549 = arith.mulf %sub3A_547, %sub3A_548 : vector<16xf32>
      %broadcast_in_dim3A_550 = arith.constant 0.000000e+00 : f32
      %broadcast_in_dim3A_551 = vector.broadcast %broadcast_in_dim3A_550 : f32 to vector<16xf32>
      %broadcast_in_dim3A_552 = arith.constant 1.000000e+00 : f32
      %broadcast_in_dim3A_553 = vector.broadcast %broadcast_in_dim3A_552 : f32 to vector<16xf32>
      %scan3A_554 = arith.constant 0 : i32
      %scan3A_555 = arith.constant 128 : i32
      %scan3A_556 = arith.addi %scan3A_554, %scan3A_555 : i32
      %scan3A_557 = arith.constant 1 : i32
      %scan3A_558:2 = scf.for %scan3A_646 = %scan3A_554 to %scan3A_556 step %scan3A_557 iter_args(%scan3A_647 = %broadcast_in_dim3A_551, %scan3A_648 = %broadcast_in_dim3A_553) -> (vector<16xf32>, vector<16xf32>)  : i32 {
        %mul3A_649 = arith.constant 1 : i32
        %mul3A_650 = arith.muli %scan3A_646, %mul3A_649 : i32
        %add3A_651 = arith.constant 0 : i32
        %add3A_652 = arith.addi %mul3A_650, %add3A_651 : i32
        %xor3A_653 = vector.broadcast %add3A_652 : i32 to vector<16xi32>
        %xor3A_654 = arith.xori %xor3A, %xor3A_653 : vector<16xi32>
        %gather3A = tpu.vector_load_idx %arg8[%xor3A_654] : memref<8192xf32, #tpu.memory_space<vmem>>[vector<16xi32>], vector<16xf32>,
        %xor3A_655 = vector.broadcast %add3A_652 : i32 to vector<16xi32>
        %xor3A_656 = arith.xori %xor3A_328, %xor3A_655 : vector<16xi32>
        %gather3A_657 = tpu.vector_load_idx %arg8[%xor3A_656] : memref<8192xf32, #tpu.memory_space<vmem>>[vector<16xi32>], vector<16xf32>,
        %xor3A_658 = vector.broadcast %add3A_652 : i32 to vector<16xi32>
        %xor3A_659 = arith.xori %xor3A_335, %xor3A_658 : vector<16xi32>
        %gather3A_660 = tpu.vector_load_idx %arg8[%xor3A_659] : memref<8192xf32, #tpu.memory_space<vmem>>[vector<16xi32>], vector<16xf32>,
        %xor3A_661 = vector.broadcast %add3A_652 : i32 to vector<16xi32>
        %xor3A_662 = arith.xori %xor3A_342, %xor3A_661 : vector<16xi32>
        %gather3A_663 = tpu.vector_load_idx %arg8[%xor3A_662] : memref<8192xf32, #tpu.memory_space<vmem>>[vector<16xi32>], vector<16xf32>,
        %sub3A_664 = arith.subf %gather3A_660, %gather3A : vector<16xf32>
        %sub3A_665 = arith.subf %gather3A_663, %gather3A_657 : vector<16xf32>
        %mul3A_666 = arith.mulf %sub3A_664, %sub3A_665 : vector<16xf32>
        %max3A = arith.maximumf %gather3A, %get3A_534 : vector<16xf32>
        %max3A_667 = arith.maximumf %gather3A_657, %get3A_538 : vector<16xf32>
        %min3A_668 = arith.minimumf %gather3A_660, %get3A_542 : vector<16xf32>
        %min3A_669 = arith.minimumf %gather3A_663, %get3A_546 : vector<16xf32>
        %sub3A_670 = arith.subf %min3A_668, %max3A : vector<16xf32>
        %max3A_671 = arith.constant 0.000000e+00 : f32
        %max3A_672 = vector.broadcast %max3A_671 : f32 to vector<16xf32>
        %max3A_673 = arith.maximumf %sub3A_670, %max3A_672 : vector<16xf32>
        %sub3A_674 = arith.subf %min3A_669, %max3A_667 : vector<16xf32>
        %max3A_675 = arith.constant 0.000000e+00 : f32
        %max3A_676 = vector.broadcast %max3A_675 : f32 to vector<16xf32>
        %max3A_677 = arith.maximumf %sub3A_674, %max3A_676 : vector<16xf32>
        %mul3A_678 = arith.mulf %max3A_673, %max3A_677 : vector<16xf32>
        %add3A_679 = arith.addf %mul3A_666, %mul3A_549 : vector<16xf32>
        %sub3A_680 = arith.subf %add3A_679, %mul3A_678 : vector<16xf32>
        %max3A_681 = arith.constant 9.99999997E-7 : f32
        %max3A_682 = vector.broadcast %max3A_681 : f32 to vector<16xf32>
        %max3A_683 = arith.maximumf %sub3A_680, %max3A_682 : vector<16xf32>
        %mul3A_684 = arith.mulf %mul3A_678, %scan3A_648 : vector<16xf32>
        %mul3A_685 = arith.mulf %scan3A_647, %max3A_683 : vector<16xf32>
        %gt3A = arith.cmpf ogt, %mul3A_684, %mul3A_685 : vector<16xf32>
        %select_n3A = arith.select %gt3A, %mul3A_678, %scan3A_647 : vector<16xi1>, vector<16xf32>
        %select_n3A_686 = arith.select %gt3A, %max3A_683, %scan3A_648 : vector<16xi1>, vector<16xf32>
        scf.yield %select_n3A, %select_n3A_686 : vector<16xf32>, vector<16xf32>
      }
      %scan3A_559 = arith.constant 128 : i32
      %div3A_560 = arith.divf %scan3A_558#0, %scan3A_558#1 : vector<16xf32>
      %div3A_561 = arith.constant 2.000000e-02 : f32
      %div3A_562 = vector.broadcast %div3A_561 : f32 to vector<16xf32>
      %div3A_563 = arith.divf %div3A_560, %div3A_562 : vector<16xf32>
      %convert_element_type3A_564 = arith.fptosi %div3A_563 : vector<16xf32> to vector<16xi32>
      %min3A_565 = arith.constant 49 : i32
      %min3A_566 = vector.broadcast %min3A_565 : i32 to vector<16xi32>
      %min3A_567 = arith.minsi %convert_element_type3A_564, %min3A_566 : vector<16xi32>
      %add3A_568 = vector.broadcast %convert_element_type3A_523 : i32 to vector<16xi32>
      %add3A_569 = arith.addi %broadcast_in_dim3A_8, %add3A_568 : vector<16xi32>
      tpu.vector_store_idx %arg11[%min3A_567, %iota3A], %add3A_569 {add = true} : memref<50x16xi32, #tpu.memory_space<vmem>>[vector<16xi32>, vector<16xi32>], vector<16xi32>,
      %convert_element_type3A_570 = arith.sitofp %convert_element_type3A_523 : i32 to f32
      %mul3A_571 = vector.broadcast %convert_element_type3A_570 : f32 to vector<16xf32>
      %mul3A_572 = arith.mulf %div3A_560, %mul3A_571 : vector<16xf32>
      %add3A_573 = arith.addf %add3A_508, %mul3A_572 : vector<16xf32>
      %add3A_574 = arith.constant 4 : i32
      %add3A_575 = arith.addi %add3A_517, %add3A_574 : i32
      %lt3A_576 = arith.constant 40 : i32
      %lt3A_577 = arith.cmpi slt, %add3A_575, %lt3A_576 : i32
      %convert_element_type3A_578 = arith.extui %lt3A_577 : i1 to i32
      %cond3A_579 = arith.constant 0 : i32
      %cond3A_580 = arith.cmpi ne, %convert_element_type3A_578, %cond3A_579 : i32
      scf.if %cond3A_580 {
        %add3A_646 = arith.constant 4 : i32
        %add3A_647 = arith.addi %add3A_517, %add3A_646 : i32
        %sub3A_648 = arith.constant 1 : i32
        %sub3A_649 = arith.subi %add3A_3, %sub3A_648 : i32
        %min3A_650 = arith.minsi %add3A_647, %sub3A_649 : i32
        %add3A_651 = arith.addi %add3A_7, %min3A_650 : i32
        %mul3A_652 = arith.constant 8192 : i32
        %mul3A_653 = arith.muli %add3A_651, %mul3A_652 : i32
        %dma_start3A_654 = tpu.memref_slice %arg2[%mul3A_653] : memref<10240000xf32, #tpu.memory_space<hbm>> -> memref<8192xf32, #tpu.memory_space<hbm>>
        %dma_start3A_655 = tpu.memref_slice %arg2[%mul3A_653] : memref<10240000xf32, #tpu.memory_space<hbm>> -> memref<8192xf32, #tpu.memory_space<hbm>>
        tpu.enqueue_dma source(%dma_start3A_655 : memref<8192xf32, #tpu.memory_space<hbm>>) target(%arg8 : memref<8192xf32, #tpu.memory_space<vmem>>) target_semaphore(%arg15 : memref<!tpu.dma_semaphore, #tpu.memory_space<semaphore_mem>>)
      } else {
      }
      %add3A_581 = arith.constant 3 : i32
      %add3A_582 = arith.addi %mul3A_389, %add3A_581 : i32
      %dma_wait3A_583 = arith.constant 0 : i32
      %dma_wait3A_584 = tpu.memref_slice %arg2[%dma_wait3A_583] : memref<10240000xf32, #tpu.memory_space<hbm>> -> memref<8192xf32, #tpu.memory_space<hbm>>
      %dma_wait3A_585 = arith.constant 0 : i32
      %dma_wait3A_586 = tpu.memref_slice %arg2[%dma_wait3A_585] : memref<10240000xf32, #tpu.memory_space<hbm>> -> memref<8192xf32, #tpu.memory_space<hbm>>
      tpu.wait_dma2 semaphore(%arg16 : memref<!tpu.dma_semaphore, #tpu.memory_space<semaphore_mem>>) src(%dma_wait3A_586 : memref<8192xf32, #tpu.memory_space<hbm>>) dst(%arg9 : memref<8192xf32, #tpu.memory_space<vmem>>)
      %lt3A_587 = arith.cmpi slt, %add3A_582, %add3A_3 : i32
      %convert_element_type3A_588 = arith.extui %lt3A_587 : i1 to i32
      %sub3A_589 = arith.constant 1 : i32
      %sub3A_590 = arith.subi %add3A_3, %sub3A_589 : i32
      %min3A_591 = arith.minsi %add3A_582, %sub3A_590 : i32
      %add3A_592 = arith.addi %add3A_7, %min3A_591 : i32
      %mul3A_593 = arith.constant 16 : i32
      %mul3A_594 = arith.muli %add3A_592, %mul3A_593 : i32
      %sub3A_595 = arith.subi %mul3A_594, %min3A_12 : i32
      %get3A_596 = arith.constant 0 : i32
      %get3A_597 = arith.index_cast %get3A_596 : i32 to index
      %get3A_598 = arith.index_cast %sub3A_595 : i32 to index
      %get3A_599 = tpu.vector_load %arg10[%get3A_597, %get3A_598] {strides = array<i32>} : memref<4x640xf32, #tpu.memory_space<vmem>>, vector<16xf32>,
      %get3A_600 = arith.constant 1 : i32
      %get3A_601 = arith.index_cast %get3A_600 : i32 to index
      %get3A_602 = arith.index_cast %sub3A_595 : i32 to index
      %get3A_603 = tpu.vector_load %arg10[%get3A_601, %get3A_602] {strides = array<i32>} : memref<4x640xf32, #tpu.memory_space<vmem>>, vector<16xf32>,
      %get3A_604 = arith.constant 2 : i32
      %get3A_605 = arith.index_cast %get3A_604 : i32 to index
      %get3A_606 = arith.index_cast %sub3A_595 : i32 to index
      %get3A_607 = tpu.vector_load %arg10[%get3A_605, %get3A_606] {strides = array<i32>} : memref<4x640xf32, #tpu.memory_space<vmem>>, vector<16xf32>,
      %get3A_608 = arith.constant 3 : i32
      %get3A_609 = arith.index_cast %get3A_608 : i32 to index
      %get3A_610 = arith.index_cast %sub3A_595 : i32 to index
      %get3A_611 = tpu.vector_load %arg10[%get3A_609, %get3A_610] {strides = array<i32>} : memref<4x640xf32, #tpu.memory_space<vmem>>, vector<16xf32>,
      %sub3A_612 = arith.subf %get3A_607, %get3A_599 : vector<16xf32>
      %sub3A_613 = arith.subf %get3A_611, %get3A_603 : vector<16xf32>
      %mul3A_614 = arith.mulf %sub3A_612, %sub3A_613 : vector<16xf32>
      %broadcast_in_dim3A_615 = arith.constant 0.000000e+00 : f32
      %broadcast_in_dim3A_616 = vector.broadcast %broadcast_in_dim3A_615 : f32 to vector<16xf32>
      %broadcast_in_dim3A_617 = arith.constant 1.000000e+00 : f32
      %broadcast_in_dim3A_618 = vector.broadcast %broadcast_in_dim3A_617 : f32 to vector<16xf32>
      %scan3A_619 = arith.constant 0 : i32
      %scan3A_620 = arith.constant 128 : i32
      %scan3A_621 = arith.addi %scan3A_619, %scan3A_620 : i32
      %scan3A_622 = arith.constant 1 : i32
      %scan3A_623:2 = scf.for %scan3A_646 = %scan3A_619 to %scan3A_621 step %scan3A_622 iter_args(%scan3A_647 = %broadcast_in_dim3A_616, %scan3A_648 = %broadcast_in_dim3A_618) -> (vector<16xf32>, vector<16xf32>)  : i32 {
        %mul3A_649 = arith.constant 1 : i32
        %mul3A_650 = arith.muli %scan3A_646, %mul3A_649 : i32
        %add3A_651 = arith.constant 0 : i32
        %add3A_652 = arith.addi %mul3A_650, %add3A_651 : i32
        %xor3A_653 = vector.broadcast %add3A_652 : i32 to vector<16xi32>
        %xor3A_654 = arith.xori %xor3A, %xor3A_653 : vector<16xi32>
        %gather3A = tpu.vector_load_idx %arg9[%xor3A_654] : memref<8192xf32, #tpu.memory_space<vmem>>[vector<16xi32>], vector<16xf32>,
        %xor3A_655 = vector.broadcast %add3A_652 : i32 to vector<16xi32>
        %xor3A_656 = arith.xori %xor3A_328, %xor3A_655 : vector<16xi32>
        %gather3A_657 = tpu.vector_load_idx %arg9[%xor3A_656] : memref<8192xf32, #tpu.memory_space<vmem>>[vector<16xi32>], vector<16xf32>,
        %xor3A_658 = vector.broadcast %add3A_652 : i32 to vector<16xi32>
        %xor3A_659 = arith.xori %xor3A_335, %xor3A_658 : vector<16xi32>
        %gather3A_660 = tpu.vector_load_idx %arg9[%xor3A_659] : memref<8192xf32, #tpu.memory_space<vmem>>[vector<16xi32>], vector<16xf32>,
        %xor3A_661 = vector.broadcast %add3A_652 : i32 to vector<16xi32>
        %xor3A_662 = arith.xori %xor3A_342, %xor3A_661 : vector<16xi32>
        %gather3A_663 = tpu.vector_load_idx %arg9[%xor3A_662] : memref<8192xf32, #tpu.memory_space<vmem>>[vector<16xi32>], vector<16xf32>,
        %sub3A_664 = arith.subf %gather3A_660, %gather3A : vector<16xf32>
        %sub3A_665 = arith.subf %gather3A_663, %gather3A_657 : vector<16xf32>
        %mul3A_666 = arith.mulf %sub3A_664, %sub3A_665 : vector<16xf32>
        %max3A = arith.maximumf %gather3A, %get3A_599 : vector<16xf32>
        %max3A_667 = arith.maximumf %gather3A_657, %get3A_603 : vector<16xf32>
        %min3A_668 = arith.minimumf %gather3A_660, %get3A_607 : vector<16xf32>
        %min3A_669 = arith.minimumf %gather3A_663, %get3A_611 : vector<16xf32>
        %sub3A_670 = arith.subf %min3A_668, %max3A : vector<16xf32>
        %max3A_671 = arith.constant 0.000000e+00 : f32
        %max3A_672 = vector.broadcast %max3A_671 : f32 to vector<16xf32>
        %max3A_673 = arith.maximumf %sub3A_670, %max3A_672 : vector<16xf32>
        %sub3A_674 = arith.subf %min3A_669, %max3A_667 : vector<16xf32>
        %max3A_675 = arith.constant 0.000000e+00 : f32
        %max3A_676 = vector.broadcast %max3A_675 : f32 to vector<16xf32>
        %max3A_677 = arith.maximumf %sub3A_674, %max3A_676 : vector<16xf32>
        %mul3A_678 = arith.mulf %max3A_673, %max3A_677 : vector<16xf32>
        %add3A_679 = arith.addf %mul3A_666, %mul3A_614 : vector<16xf32>
        %sub3A_680 = arith.subf %add3A_679, %mul3A_678 : vector<16xf32>
        %max3A_681 = arith.constant 9.99999997E-7 : f32
        %max3A_682 = vector.broadcast %max3A_681 : f32 to vector<16xf32>
        %max3A_683 = arith.maximumf %sub3A_680, %max3A_682 : vector<16xf32>
        %mul3A_684 = arith.mulf %mul3A_678, %scan3A_648 : vector<16xf32>
        %mul3A_685 = arith.mulf %scan3A_647, %max3A_683 : vector<16xf32>
        %gt3A = arith.cmpf ogt, %mul3A_684, %mul3A_685 : vector<16xf32>
        %select_n3A = arith.select %gt3A, %mul3A_678, %scan3A_647 : vector<16xi1>, vector<16xf32>
        %select_n3A_686 = arith.select %gt3A, %max3A_683, %scan3A_648 : vector<16xi1>, vector<16xf32>
        scf.yield %select_n3A, %select_n3A_686 : vector<16xf32>, vector<16xf32>
      }
      %scan3A_624 = arith.constant 128 : i32
      %div3A_625 = arith.divf %scan3A_623#0, %scan3A_623#1 : vector<16xf32>
      %div3A_626 = arith.constant 2.000000e-02 : f32
      %div3A_627 = vector.broadcast %div3A_626 : f32 to vector<16xf32>
      %div3A_628 = arith.divf %div3A_625, %div3A_627 : vector<16xf32>
      %convert_element_type3A_629 = arith.fptosi %div3A_628 : vector<16xf32> to vector<16xi32>
      %min3A_630 = arith.constant 49 : i32
      %min3A_631 = vector.broadcast %min3A_630 : i32 to vector<16xi32>
      %min3A_632 = arith.minsi %convert_element_type3A_629, %min3A_631 : vector<16xi32>
      %add3A_633 = vector.broadcast %convert_element_type3A_588 : i32 to vector<16xi32>
      %add3A_634 = arith.addi %broadcast_in_dim3A_8, %add3A_633 : vector<16xi32>
      tpu.vector_store_idx %arg11[%min3A_632, %iota3A], %add3A_634 {add = true} : memref<50x16xi32, #tpu.memory_space<vmem>>[vector<16xi32>, vector<16xi32>], vector<16xi32>,
      %convert_element_type3A_635 = arith.sitofp %convert_element_type3A_588 : i32 to f32
      %mul3A_636 = vector.broadcast %convert_element_type3A_635 : f32 to vector<16xf32>
      %mul3A_637 = arith.mulf %div3A_625, %mul3A_636 : vector<16xf32>
      %add3A_638 = arith.addf %add3A_573, %mul3A_637 : vector<16xf32>
      %add3A_639 = arith.constant 4 : i32
      %add3A_640 = arith.addi %add3A_582, %add3A_639 : i32
      %lt3A_641 = arith.constant 40 : i32
      %lt3A_642 = arith.cmpi slt, %add3A_640, %lt3A_641 : i32
      %convert_element_type3A_643 = arith.extui %lt3A_642 : i1 to i32
      %cond3A_644 = arith.constant 0 : i32
      %cond3A_645 = arith.cmpi ne, %convert_element_type3A_643, %cond3A_644 : i32
      scf.if %cond3A_645 {
        %add3A_646 = arith.constant 4 : i32
        %add3A_647 = arith.addi %add3A_582, %add3A_646 : i32
        %sub3A_648 = arith.constant 1 : i32
        %sub3A_649 = arith.subi %add3A_3, %sub3A_648 : i32
        %min3A_650 = arith.minsi %add3A_647, %sub3A_649 : i32
        %add3A_651 = arith.addi %add3A_7, %min3A_650 : i32
        %mul3A_652 = arith.constant 8192 : i32
        %mul3A_653 = arith.muli %add3A_651, %mul3A_652 : i32
        %dma_start3A_654 = tpu.memref_slice %arg2[%mul3A_653] : memref<10240000xf32, #tpu.memory_space<hbm>> -> memref<8192xf32, #tpu.memory_space<hbm>>
        %dma_start3A_655 = tpu.memref_slice %arg2[%mul3A_653] : memref<10240000xf32, #tpu.memory_space<hbm>> -> memref<8192xf32, #tpu.memory_space<hbm>>
        tpu.enqueue_dma source(%dma_start3A_655 : memref<8192xf32, #tpu.memory_space<hbm>>) target(%arg9 : memref<8192xf32, #tpu.memory_space<vmem>>) target_semaphore(%arg16 : memref<!tpu.dma_semaphore, #tpu.memory_space<semaphore_mem>>)
      } else {
      }
      scf.yield %add3A_638 : vector<16xf32>
    }
    %scan3A_383 = arith.constant 10 : i32
    %swap3A_384 = arith.constant 0 : index
    %swap3A_385 = tpu.vector_load %arg12[%swap3A_384] {strides = array<i32>} : memref<16xf32, #tpu.memory_space<vmem>>, vector<16xf32>,
    tpu.vector_store %arg12[%swap3A_384], %scan3A_382 {strides = array<i32>} : memref<16xf32, #tpu.memory_space<vmem>>, vector<16xf32>,
    "tpu.region"() ({
      %run_scoped3A_386 = tpu.sem_alloc : memref<!tpu.dma_semaphore, #tpu.memory_space<semaphore_mem>>
      %dma_start3A_387 = arith.constant 0 : i32
      %dma_start3A_388 = arith.constant 0 : i32
      %dma_start3A_389 = tpu.memref_slice %arg4[%add3A, %dma_start3A_387, %dma_start3A_388] : memref<32x50x16xi32, #tpu.memory_space<hbm>> -> memref<1x50x16xi32, #tpu.memory_space<hbm>>
      %dma_start3A_390 = tpu.memref_squeeze %dma_start3A_389 : memref<1x50x16xi32, #tpu.memory_space<hbm>> -> memref<50x16xi32, #tpu.memory_space<hbm>>
      %dma_start3A_391 = arith.constant 0 : i32
      %dma_start3A_392 = arith.constant 0 : i32
      %dma_start3A_393 = tpu.memref_slice %arg4[%add3A, %dma_start3A_391, %dma_start3A_392] : memref<32x50x16xi32, #tpu.memory_space<hbm>> -> memref<1x50x16xi32, #tpu.memory_space<hbm>>
      %dma_start3A_394 = tpu.memref_squeeze %dma_start3A_393 : memref<1x50x16xi32, #tpu.memory_space<hbm>> -> memref<50x16xi32, #tpu.memory_space<hbm>>
      tpu.enqueue_dma source(%arg11 : memref<50x16xi32, #tpu.memory_space<vmem>>) target(%dma_start3A_394 : memref<50x16xi32, #tpu.memory_space<hbm>>) target_semaphore(%run_scoped3A_386 : memref<!tpu.dma_semaphore, #tpu.memory_space<semaphore_mem>>)
      %dma_wait3A = arith.constant 0 : i32
      %dma_wait3A_395 = arith.constant 0 : i32
      %dma_wait3A_396 = tpu.memref_slice %arg4[%add3A, %dma_wait3A, %dma_wait3A_395] : memref<32x50x16xi32, #tpu.memory_space<hbm>> -> memref<1x50x16xi32, #tpu.memory_space<hbm>>
      %dma_wait3A_397 = tpu.memref_squeeze %dma_wait3A_396 : memref<1x50x16xi32, #tpu.memory_space<hbm>> -> memref<50x16xi32, #tpu.memory_space<hbm>>
      %dma_wait3A_398 = arith.constant 0 : i32
      %dma_wait3A_399 = arith.constant 0 : i32
      %dma_wait3A_400 = tpu.memref_slice %arg4[%add3A, %dma_wait3A_398, %dma_wait3A_399] : memref<32x50x16xi32, #tpu.memory_space<hbm>> -> memref<1x50x16xi32, #tpu.memory_space<hbm>>
      %dma_wait3A_401 = tpu.memref_squeeze %dma_wait3A_400 : memref<1x50x16xi32, #tpu.memory_space<hbm>> -> memref<50x16xi32, #tpu.memory_space<hbm>>
      tpu.wait_dma2 semaphore(%run_scoped3A_386 : memref<!tpu.dma_semaphore, #tpu.memory_space<semaphore_mem>>) src(%arg11 : memref<50x16xi32, #tpu.memory_space<vmem>>) dst(%dma_wait3A_401 : memref<50x16xi32, #tpu.memory_space<hbm>>)
      tpu.yield
    }) : () -> ()
    "tpu.region"() ({
      %run_scoped3A_386 = tpu.sem_alloc : memref<!tpu.dma_semaphore, #tpu.memory_space<semaphore_mem>>
      %dma_start3A_387 = arith.constant 0 : i32
      %dma_start3A_388 = tpu.memref_slice %arg5[%add3A, %dma_start3A_387] : memref<32x16xf32, #tpu.memory_space<hbm>> -> memref<1x16xf32, #tpu.memory_space<hbm>>
      %dma_start3A_389 = tpu.memref_squeeze %dma_start3A_388 : memref<1x16xf32, #tpu.memory_space<hbm>> -> memref<16xf32, #tpu.memory_space<hbm>>
      %dma_start3A_390 = arith.constant 0 : i32
      %dma_start3A_391 = tpu.memref_slice %arg5[%add3A, %dma_start3A_390] : memref<32x16xf32, #tpu.memory_space<hbm>> -> memref<1x16xf32, #tpu.memory_space<hbm>>
      %dma_start3A_392 = tpu.memref_squeeze %dma_start3A_391 : memref<1x16xf32, #tpu.memory_space<hbm>> -> memref<16xf32, #tpu.memory_space<hbm>>
      tpu.enqueue_dma source(%arg12 : memref<16xf32, #tpu.memory_space<vmem>>) target(%dma_start3A_392 : memref<16xf32, #tpu.memory_space<hbm>>) target_semaphore(%run_scoped3A_386 : memref<!tpu.dma_semaphore, #tpu.memory_space<semaphore_mem>>)
      %dma_wait3A = arith.constant 0 : i32
      %dma_wait3A_393 = tpu.memref_slice %arg5[%add3A, %dma_wait3A] : memref<32x16xf32, #tpu.memory_space<hbm>> -> memref<1x16xf32, #tpu.memory_space<hbm>>
      %dma_wait3A_394 = tpu.memref_squeeze %dma_wait3A_393 : memref<1x16xf32, #tpu.memory_space<hbm>> -> memref<16xf32, #tpu.memory_space<hbm>>
      %dma_wait3A_395 = arith.constant 0 : i32
      %dma_wait3A_396 = tpu.memref_slice %arg5[%add3A, %dma_wait3A_395] : memref<32x16xf32, #tpu.memory_space<hbm>> -> memref<1x16xf32, #tpu.memory_space<hbm>>
      %dma_wait3A_397 = tpu.memref_squeeze %dma_wait3A_396 : memref<1x16xf32, #tpu.memory_space<hbm>> -> memref<16xf32, #tpu.memory_space<hbm>>
      tpu.wait_dma2 semaphore(%run_scoped3A_386 : memref<!tpu.dma_semaphore, #tpu.memory_space<semaphore_mem>>) src(%arg12 : memref<16xf32, #tpu.memory_space<vmem>>) dst(%dma_wait3A_397 : memref<16xf32, #tpu.memory_space<hbm>>)
      tpu.yield
    }) : () -> ()
    return
  }
}

</mosaic_0001>

<sc_bundles>
// kernel: kernel.3.cloned.1.call-start
scs
__scs_entry_jumppad:
0x0: {  	(pc) =	sbr.rel $0x88, $3  }
0x1: {  	(tag) =	ssettag $0x0;
	lr =	simm.s32 $0x1  }
0x2: {  	[smem:$0x3F9F] =	sst lr;
	_ =	strace $0xD0000000  }
0x3: {  	_ = 	snop  }
0x4: {  	_ = 	snop  }
0x5: {  	_ = 	snop  }
0x6: {  	_ = 	snop  }
0x7: {  	_ = 	snop  }
__scs_overlays_trampoline_lowered:
0x8: {  	[smem:$0x3FAE] =	sst s0  }
0x9: {  	[smem:$0x3FAF] =	sst s1  }
0xa: {  	[smem:$0x3FB0] =	sst s2  }
0xb: {  	[smem:$0x3FB1] =	sst s3  }
0xc: {  	[smem:$0x3FB2] =	sst s4  }
0xd: {  	[smem:$0x3FB3] =	sst s5  }
0xe: {  	[smem:$0x3FB4] =	sst s6  }
0xf: {  	[smem:$0x3FB5] =	sst s7  }
0x10: {  	[smem:$0x3FB6] =	sst s8  }
0x11: {  	[smem:$0x3FB7] =	sst s9;
	s0 =	simm.s32 @!p0 $0x0  }
0x12: {  	s1 =	sld [smem:$0x3F9D];
	s0 =	simm.s32 @p0 $0x1  }
0x13: {  	[smem:$0x3FB8] =	sst s0;
	s0 =	simm.s32 @!p1 $0x0  }
0x14: {  	s2 =	sld [smem:$0x3F9C];
	s0 =	simm.s32 @p1 $0x1  }
0x15: {  	[smem:$0x3FB9] =	sst s0;
	s0 =	simm.s32 @!p2 $0x0  }
0x16: {  	s3 =	sld [smem:$0x3FDB];
	s0 =	simm.s32 @p2 $0x1  }
0x17: {  	s4 =	simm.s32 $0x1BF5;
	[smem:$0x3FBB] =	sst s0  }
0x18: {  	s0 =	sld [smem:$0x3F9E];
	_ =	swait.ge [sflag:s4], $0x0  }
0x19: {  	s7 =	sld [smem:$0x3F9F]  }
0x1a: {  	s8 =	sadd.s32 $0xFFFFE003, lr  }
0x1b: {  	s9 =	sadd.s32 $0xFFFFFEF7, lr;
	s5 =	simm.s32 $0xFFFFFFFF;
	p2 =	slt.u32 s8, $0xFFFFF086  }
0x1c: {  	p1 =	slt.u32 s9, $0xF7A;
	s5 =	simm.s32 @!p2 $0x0  }
0x1d: {  	s5 =	simm.s32 @p1 $0x1;
	p0 =	seq.s32 s7, s2  }
0x1e: {  	s7 =	smul.u32 @!p0 $0xF7A, s2;
	p2 =	seq.s32 @!p0 s5, $0x0  }
0x1f: {  	s9 =	smul.u32 $0xF7A, s1;
	s8 =	simm.s32 @!p0 $0x1BF5;
	p2 =	por !p2, p0  }
0x20: {  	[sflag:s8] =	ssyncset.s32 @!p0 $0xFFFFF086;
	s6 =	sadd.s32 @!p0 s3, s7;
	s7 =	simm.s32 @!p0 $0x108  }
0x21: {  	s3 =	sadd.s32 s3, s9;
	s6 =	sadd.s32 @!p0 $0x88, s6;
	s7 =	simm.s32 @p2 $0x1082  }
0x22: {  	[simem:s7], [sflag:s8] =	dma.local @!p0 [hbm:s6], $0xF7A  }
0x23: {  	s9 =	sor.u32 $0xD0000000, s2;
	s6 =	simm.s32 $0x108;
	_ =	swait.ge @!p0 [sflag:s8], $0x0  }
0x24: {  	s3 =	sadd.s32 $0x88, s3;
	s6 =	simm.s32 @!p1 $0x1082;
	[sflag:s4] =	ssyncset.s32 $0xFFFFF086  }
0x25: {  	[simem:s6], [sflag:s4] =	dma.local [hbm:s3], $0xF7A  }
0x26: {  	[smem:$0x3F9F] =	sst s1;
	(tag) =	ssettag s2;
	_ =	strace s9  }
0x27: {  	s1 =	sld [smem:$0x3FAF]  }
0x28: {  	s2 =	sld [smem:$0x3FB0]  }
0x29: {  	s4 =	sld [smem:$0x3FB2]  }
0x2a: {  	p0 =	seq.s32 s5, $0x0;
	s5 =	sld [smem:$0x3FB3]  }
0x2b: {  	s6 =	sld [smem:$0x3FB4]  }
0x2c: {  	s7 =	sld [smem:$0x3FB5]  }
0x2d: {  	s3 =	simm.s32 $0x108;
	s8 =	sld [smem:$0x3FB6]  }
0x2e: {  	s3 =	simm.s32 @!p0 $0x1082;
	s9 =	sld [smem:$0x3FB7]  }
0x2f: {  	lr =	sadd.s32 s0, s3;
	s0 =	sld [smem:$0x3FAE]  }
0x30: {  	s3 =	sld [smem:$0x3FB1]  }
0x31: {  	[smem:$0x3FBA] =	sst s10  }
0x32: {  	s10 =	sld [smem:$0x3FB8];
	_ =	sdelay $0x3  }
0x33: {  	p0 =	seq.s32 s10, $0x1;
	s10 =	sld [smem:$0x3FBA];
	_ =	sdelay $0x3  }
0x34: {  	[smem:$0x3FBA] =	sst s10  }
0x35: {  	s10 =	sld [smem:$0x3FB9];
	_ =	sdelay $0x3  }
0x36: {  	p1 =	seq.s32 s10, $0x1;
	s10 =	sld [smem:$0x3FBA];
	_ =	sdelay $0x3  }
0x37: {  	[smem:$0x3FBA] =	sst s10  }
0x38: {  	s10 =	sld [smem:$0x3FBB]  }
0x39: {  	_ = 	snop;
	(pc) =	sbr.ind lr, $3  }
0x3a: {  	_ = 	snop  }
0x3b: {  	_ = 	snop  }
0x3c: {  	p2 =	seq.s32 s10, $0x1;
	s10 =	sld [smem:$0x3FBA]  }
0x3d: {  	_ =	shalt  }
0x3e: {  	_ =	shalt  }
0x3f: {  	_ =	shalt  }
0x40: {  	_ =	shalt  }
0x41: {  	_ =	shalt  }
0x42: {  	_ =	shalt  }
0x43: {  	_ =	shalt  }
0x44: {  	_ =	shalt  }
0x45: {  	_ =	shalt  }
0x46: {  	_ =	shalt  }
0x47: {  	_ =	shalt  }
0x48: {  	_ =	shalt  }
0x49: {  	_ =	shalt  }
0x4a: {  	_ =	shalt  }
0x4b: {  	_ =	shalt  }
0x4c: {  	_ =	shalt  }
0x4d: {  	_ =	shalt  }
0x4e: {  	_ =	shalt  }
0x4f: {  	_ =	shalt  }
0x50: {  	_ =	shalt  }
0x51: {  	_ =	shalt  }
0x52: {  	_ =	shalt  }
0x53: {  	_ =	shalt  }
0x54: {  	_ =	shalt  }
0x55: {  	_ =	shalt  }
0x56: {  	_ =	shalt  }
0x57: {  	_ =	shalt  }
0x58: {  	_ =	shalt  }
0x59: {  	_ =	shalt  }
0x5a: {  	_ =	shalt  }
0x5b: {  	_ =	shalt  }
0x5c: {  	_ =	shalt  }
0x5d: {  	_ =	shalt  }
0x5e: {  	_ =	shalt  }
0x5f: {  	_ =	shalt  }
0x60: {  	_ =	shalt  }
0x61: {  	_ =	shalt  }
0x62: {  	_ =	shalt  }
0x63: {  	_ =	shalt  }
0x64: {  	_ =	shalt  }
0x65: {  	_ =	shalt  }
0x66: {  	_ =	shalt  }
0x67: {  	_ =	shalt  }
0x68: {  	_ =	shalt  }
0x69: {  	_ =	shalt  }
0x6a: {  	_ =	shalt  }
0x6b: {  	_ =	shalt  }
0x6c: {  	_ =	shalt  }
0x6d: {  	_ =	shalt  }
0x6e: {  	_ =	shalt  }
0x6f: {  	_ =	shalt  }
0x70: {  	_ =	shalt  }
0x71: {  	_ =	shalt  }
0x72: {  	_ =	shalt  }
0x73: {  	_ =	shalt  }
0x74: {  	_ =	shalt  }
0x75: {  	_ =	shalt  }
0x76: {  	_ =	shalt  }
0x77: {  	_ =	shalt  }
0x78: {  	_ =	shalt  }
0x79: {  	_ =	shalt  }
0x7a: {  	_ =	shalt  }
0x7b: {  	_ =	shalt  }
0x7c: {  	_ =	shalt  }
0x7d: {  	_ =	shalt  }
0x7e: {  	_ =	shalt  }
0x7f: {  	_ =	shalt  }
0x80: {  	_ =	shalt  }
0x81: {  	_ =	shalt  }
0x82: {  	_ =	shalt  }
0x83: {  	_ =	shalt  }
0x84: {  	_ =	shalt  }
0x85: {  	_ =	shalt  }
0x86: {  	_ =	shalt  }
0x87: {  	_ =	shalt  }
.Lfunc_end0:
.L_simem_size_0:
called_computation_lowered:
.L_overlay_start_0:
0x88: {  	s2 =	sld [smem:$0x3FD9]  }
0x89: {  	s3 =	sld [smem:$0x3FFE];
	_ =	sdelay $0x1  }
0x8a: {  	s1 =	srdreg.scid  }
0x8b: {  	s0 =	sand.u32 $0x1, s1  }
0x8c: {  	s17 =	sshll.u32 s0, $0xA;
	s2 =	sadd.s32 s3, s2  }
0x8d: {  	s2 =	sadd.s32 s2, s17  }
0x8e: {  	[smem:$0x3FC6] =	sst s2  }
0x8f: {  	_ = 	snop  }
0x90: {  	s2 =	sld [smem:$0x3FC9];
	(tm) =	ssettm $0x1  }
0x91: {  	s18 =	sld [smem:$0x3FFB];
	_ =	sdelay $0x3  }
0x92: {  	_ =	strace s18  }
0x93: {  	s3 =	sld [smem:$0x3FFC];
	_ =	sdelay $0x3  }
0x94: {  	_ =	strace s3  }
0x95: {  	s3 =	sld [smem:$0x3FFD];
	_ =	sdelay $0x3  }
0x96: {  	_ =	strace s3  }
0x97: {  	_ =	strace $0x8FFFFFFF  }
0x98: {  	s19 =	sld [smem:$0x3FDB];
	_ =	sdelay $0x1  }
0x99: {  	s4 =	simm.s32 $_scs_section_size  }
0x9a: {  	s5 =	simm.s32 $_size__tile_overlayer_lowered;
	s6 =	simm.s32 $_tile_overlayer_lowered  }
0x9b: {  	s22 =	simm.s32 $0x1BFF;
	s21 =	sshll.u32 s6, $0x1;
	s3 =	sadd.s32 s4, s19  }
0x9c: {  	s7 =	simm.s32 $0x0;
	s20 =	sshll.u32 s5, $0x1;
	s5 =	sadd.s32 s21, s3  }
0x9d: {  	[timem:s7], [sflag:s22] =	dma.local [hbm:s5], s20  }
0x9e: {  	_ =	swait.ge [sflag:s22], s20  }
0x9f: {  	s4 =	ssub.s32 $0x0, s20;
	[sflag:s22] =	ssyncset.done $0x0  }
0xa0: {  	[sflag:s22] =	ssyncadd.s32 s4;
	_ =	sdelay $0x1  }
0xa1: {  	s23 =	simm.s32 $0x1B8B  }
0xa2: {  	_ =	swait.ge [sflag:s23], $0x1  }
0xa3: {  	[sflag:s23] =	ssyncset.done $0x0  }
0xa4: {  	s25 =	simm.s32 $0x1B8E;
	s24 =	sld [smem:$0x3FFE];
	[sflag:s23] =	ssyncadd.s32 $0xFFFFFFFF  }
0xa5: {  	s26 =	simm.s32 $execute0_lowered;
	[smem:$0x3FD2] =	sst s25  }
0xa6: {  	s5 =	sshll.u32 s26, $0x1;
	_ =	strace $0x80000046;
	[dreg:$0x1] =	wrdreg $0xFFFFFFFF  }
0xa7: {  	s28 =	simm.s32 $_size_execute0_lowered;
	s3 =	sadd.s32 s3, s5;
	[dreg:$0x0] =	wrdreg $0x0  }
0xa8: {  	s5 =	sshll.u32 s28, $0x1;
	[dreg:$0x2] =	wrdreg s3  }
0xa9: {  	[dreg:$0x3] =	wrdreg s5  }
0xaa: {  	[dreg:$0x4] =	wrdreg $0xC0  }
0xab: {  	_ =	task [dreg:s7], $0x5FFFF  }
0xac: {  	[dreg:$0x1] =	wrdreg $0xFFFFFFFF  }
0xad: {  	[dreg:$0x0] =	wrdreg $0x60  }
0xae: {  	[dreg:$0x2] =	wrdreg s2  }
0xaf: {  	[dreg:$0x3] =	wrdreg s24  }
0xb0: {  	[dreg:$0x4] =	wrdreg $0x9  }
0xb1: {  	_ =	task.clear_ibuf [dreg:s7], $0x5FFFF;
	_ =	strace $0x90000046  }
0xb2: {  	s29 =	simm.s32 $0x9;
	_ =	strace $0x80000048  }
0xb3: {  	_ =	swait.ge [sflag:s29], $0x1  }
0xb4: {  	[sflag:s29] =	ssyncadd.s32 $0xFFFFFFFF  }
0xb5: {  	_ =	strace $0x90000048  }
0xb6: {  	_ =	sfence  }
0xb7: {  	s30 =	sld [smem:$0x0];
	_ =	sdelay $0x2  }
0xb8: {  	s31 =	sshll.u32 s1, $0xD;
	s1 =	sshrl.u32 s1, $0x2  }
0xb9: {  	s3 =	sand.u32 $0x4000, s31;
	s1 =	sadd.s32 s1, s30  }
0xba: {  	s0 =	sor.u32 s3, s0;
	s1 =	sshll.u32 s1, $0x11  }
0xbb: {  	s0 =	sor.u32 s1, s0  }
0xbc: {  	s0 =	sadd.s32 $0x8F2B, s0  }
0xbd: {  	[sflag:s0] =	ssyncadd.remote.s32 $0x1  }
0xbe: {  	_ =	sfence.sel $0xFFFF  }
0xbf: {  	[dreg:$0x0] =	wrdreg $0xFFFFFFFF;
	(pc) =	sbr.abs _section_cstart, $3  }
0xc0: {  	[dreg:$0x1] =	wrdreg $0xFFFFFFFF  }
0xc1: {  	_ =	task.clear_ibuf [dreg:s7], $0x2FFFF;
	_ =	strace $0x9FFFFFFF  }
0xc2: {  	(tm) =	ssettm $0x7FFFFFFF  }
0xc3: {  	_ =	shalt  }
tec
execute0_lowered:
.L_overlay_start_1:
0x0: {  	(tag) =	ssettag $0x1  }
0x1: {  	s0 =	srdreg.scid;
	s2 =	rddreg [dreg:$0x0]  }
0x2: {  	s3 =	stileid.u32;
	s7 =	rddreg [dreg:$0x1]  }
0x3: {  	s10 =	simm.s32 $0x27;
	s20 =	simm.s32 $0x5;
	s28 =	simm.s32 $0x1  }
0x4: {  	s29 =	simm.s32 $0x8A00;
	s30 =	simm.s32 $0x2;
	s0 =	sand.u32 $0x1, s0  }
0x5: {  	s31 =	simm.s32 $0x3;
	s19 =	simm.s32 $0x0;
	s1 =	sshll.u32 s0, $0x4  }
0x6: {  	s0 =	ssub.s32 $0x2, s0;
	s1 =	sor.u32 s3, s1;
	s3 =	simm.s32 $0x0  }
0x7: {  	s8 =	sshrl.u32 s0, $0x1;
	s4 =	smul.u32 $0x27, s1;
	[smem:$0x7FF] =	sst s3  }
0x8: {  	v0 =	vimm.f32 $1.999999960e-02;
	s5 =	smul.u32 $0x64, s1;
	s6 =	smin.u32 s1, $0x2;
	_ =	strace $0x80000047  }
0x9: {  	s24 =	sshll.u32 s1, $0x1;
	p0 =	slt.u32 s1, $0x2;
	s0 =	ssub.s32 s0, s8;
	(erf) = vrcp.f32 v0  }
0xa: {  	s1 =	simm.s32 $0x4;
	s17 =	sadd.s32 s24, s7;
	s10 =	simm.s32 @!p0 $0x26  }
0xb: {  	s18 =	smax.u32 s0, $0x1;
	s24 =	simm.s32 $0x2000;
	s4 =	sadd.s32 s6, s4  }
0xc: {  	s16 =	sadd.s32 s5, s7;
	s6 =	simm.s32 $0x28;
	s17 =	sadd.s32 $0x2800, s17  }
0xd: {  	s23 =	sshll.u32 s4, $0x4;
	s6 =	simm.s32 @!p0 $0x27;
	s26 =	sshll.u32 s4, $0xA  }
.Ltmp0:
0xe: {  	s16 =	sadd.s32 $0x2A00, s16;
	s5 =	smin.u32 s23, $0x4BA0;
	(pc) =	sbr.rel .LBB2_1-.Ltmp0, $4  }
0xf: {  	v0 =	vlaneseq.u32;
	s12 =	sadd.s32 s2, s26;
	s26 =	simm.s32 $0x6000;
	s9 =	sshrl.u32 s5, $0x3  }
0x10: {  	v1 =	vmul.u32 $0x201, v0;
	s13 =	sadd.s32 $0x400, s12;
	s14 =	sadd.s32 $0x800, s12;
	s7 =	sadd.s32 s7, s9  }
0x11: {  	v2 =	vimm.s32 $0x0;
	s15 =	sadd.s32 $0xC00, s12;
	s25 =	sadd.s32 $0x9C4, s7;
	s9 =	sadd.s32 $0x1388, s7  }
0x12: {  	v4 =	vadd.s32 $0x80, v1;
	v5 =	vadd.s32 $0x100, v1;
	v6 =	vadd.s32 $0x180, v1;
	s11 =	sadd.s32 $0x1D4C, s7;
	[dreg:$0x3] =	wrdreg s25;
	s25 =	simm.s32 $0x4000;
	v3 =	vpop (erf)  }
.LBB2_12:
0x13: {  	[tilespmem:$0x8D20] =	vst v7  }
0x14: {  	[hbm4b:s16+s3] =	stream.linear.scatter [tilespmem:s29], [sflag:$0x5], $0x320, $0x38;
	[tilespmem:$0x8D30] =	vst v63  }
0x15: {  	s19 =	sadd.s32 $0x1, s19;
	_ =	swait.ge [sflag:s20], $0x320  }
0x16: {  	p0 =	sne.s32 s19, s18;
	[sflag:s20] =	ssyncset.done $0x0  }
.Ltmp1:
0x17: {  	s0 =	simm.s32 $0x8D20;
	[sflag:s20] =	ssyncadd.s32 $0xFFFFFCE0;
	(pc) =	sbr.rel @!p0 .LBB2_13-.Ltmp1, $4  }
0x18: {  	[hbm4b:s17+s3] =	stream.linear.scatter [tilespmem:s0], [sflag:$0x5], $0x10, $0x38;
	[tilespmem:$0x8D30] =	vst v63  }
0x19: {  	_ =	swait.ge [sflag:s20], $0x10  }
0x1a: {  	[sflag:s20] =	ssyncset.done $0x0  }
0x1b: {  	[sflag:s20] =	ssyncadd.s32 $0xFFFFFFF0  }
.LBB2_1:
0x1c: {  	s0 =	simm.s32 $0x8000  }
0x1d: {  	[tilespmem:s0], [sflag:$0x5] =	stream.linear.gather [hbm4b:s7+s3], $0x280, $0x38;
	[tilespmem:$0x8D30] =	vst v63  }
0x1e: {  	_ =	swait.ge [sflag:s20], $0x280  }
0x1f: {  	[sflag:s20] =	ssyncset.done $0x0  }
0x20: {  	s8 =	simm.s32 $0x8280;
	s21 =	rddreg [dreg:$0x3];
	[sflag:s20] =	ssyncadd.s32 $0xFFFFFD80  }
0x21: {  	[tilespmem:s8], [sflag:$0x5] =	stream.linear.gather [hbm4b:s21+s3], $0x280, $0x38;
	[tilespmem:$0x8D30] =	vst v63  }
0x22: {  	_ =	swait.ge [sflag:s20], $0x280  }
0x23: {  	[sflag:s20] =	ssyncset.done $0x0  }
0x24: {  	s22 =	simm.s32 $0x8500;
	[sflag:s20] =	ssyncadd.s32 $0xFFFFFD80  }
0x25: {  	[tilespmem:s22], [sflag:$0x5] =	stream.linear.gather [hbm4b:s9+s3], $0x280, $0x38;
	[tilespmem:$0x8D30] =	vst v63  }
0x26: {  	_ =	swait.ge [sflag:s20], $0x280  }
0x27: {  	[sflag:s20] =	ssyncset.done $0x0  }
0x28: {  	s23 =	simm.s32 $0x8780;
	[sflag:s20] =	ssyncadd.s32 $0xFFFFFD80  }
0x29: {  	[tilespmem:s23], [sflag:$0x5] =	stream.linear.gather [hbm4b:s11+s3], $0x280, $0x38;
	[tilespmem:$0x8D30] =	vst v63  }
0x2a: {  	_ =	swait.ge [sflag:s20], $0x280  }
0x2b: {  	[sflag:s20] =	ssyncset.done $0x0  }
0x2c: {  	[sflag:s20] =	ssyncadd.s32 $0xFFFFFD80  }
0x2d: {  	[tilespmem:$0x8A00] =	vst v2  }
0x2e: {  	[tilespmem:$0x8A10] =	vst v2  }
0x2f: {  	[tilespmem:$0x8A20] =	vst v2  }
0x30: {  	[tilespmem:$0x8A30] =	vst v2  }
0x31: {  	[tilespmem:$0x8A40] =	vst v2  }
0x32: {  	[tilespmem:$0x8A50] =	vst v2  }
0x33: {  	[tilespmem:$0x8A60] =	vst v2  }
0x34: {  	[tilespmem:$0x8A70] =	vst v2  }
0x35: {  	[tilespmem:$0x8A80] =	vst v2  }
0x36: {  	[tilespmem:$0x8A90] =	vst v2  }
0x37: {  	[tilespmem:$0x8AA0] =	vst v2  }
0x38: {  	[tilespmem:$0x8AB0] =	vst v2  }
0x39: {  	[tilespmem:$0x8AC0] =	vst v2  }
0x3a: {  	[tilespmem:$0x8AD0] =	vst v2  }
0x3b: {  	[tilespmem:$0x8AE0] =	vst v2  }
0x3c: {  	[tilespmem:$0x8AF0] =	vst v2  }
0x3d: {  	[tilespmem:$0x8B00] =	vst v2  }
0x3e: {  	[tilespmem:$0x8B10] =	vst v2  }
0x3f: {  	[tilespmem:$0x8B20] =	vst v2  }
0x40: {  	[tilespmem:$0x8B30] =	vst v2  }
0x41: {  	[tilespmem:$0x8B40] =	vst v2  }
0x42: {  	[tilespmem:$0x8B50] =	vst v2  }
0x43: {  	[tilespmem:$0x8B60] =	vst v2  }
0x44: {  	[tilespmem:$0x8B70] =	vst v2  }
0x45: {  	[tilespmem:$0x8B80] =	vst v2  }
0x46: {  	[tilespmem:$0x8B90] =	vst v2  }
0x47: {  	[tilespmem:$0x8BA0] =	vst v2  }
0x48: {  	[tilespmem:$0x8BB0] =	vst v2  }
0x49: {  	[tilespmem:$0x8BC0] =	vst v2  }
0x4a: {  	[tilespmem:$0x8BD0] =	vst v2  }
0x4b: {  	[tilespmem:$0x8BE0] =	vst v2  }
0x4c: {  	[tilespmem:$0x8BF0] =	vst v2  }
0x4d: {  	[tilespmem:$0x8C00] =	vst v2  }
0x4e: {  	[tilespmem:$0x8C10] =	vst v2  }
0x4f: {  	[tilespmem:$0x8C20] =	vst v2  }
0x50: {  	[tilespmem:$0x8C30] =	vst v2  }
0x51: {  	[tilespmem:$0x8C40] =	vst v2  }
0x52: {  	[tilespmem:$0x8C50] =	vst v2  }
0x53: {  	[tilespmem:$0x8C60] =	vst v2  }
0x54: {  	[tilespmem:$0x8C70] =	vst v2  }
0x55: {  	[tilespmem:$0x8C80] =	vst v2  }
0x56: {  	[tilespmem:$0x8C90] =	vst v2  }
0x57: {  	[tilespmem:$0x8CA0] =	vst v2  }
0x58: {  	[tilespmem:$0x8CB0] =	vst v2  }
0x59: {  	[tilespmem:$0x8CC0] =	vst v2  }
0x5a: {  	[tilespmem:$0x8CD0] =	vst v2  }
0x5b: {  	[tilespmem:$0x8CE0] =	vst v2  }
0x5c: {  	[tilespmem:$0x8CF0] =	vst v2  }
0x5d: {  	[tilespmem:$0x8D00] =	vst v2  }
0x5e: {  	[tilespmem:$0x8D10] =	vst v2  }
0x5f: {  	[tilespmem:s3], [sflag:$0x1] =	stream.linear.gather [hbm4b:s12+s3], $0x2000, $0x38;
	[tilespmem:$0x8D30] =	vst v63  }
0x60: {  	_ = 	snop  }
0x61: {  	[tilespmem:s24], [sflag:$0x2] =	stream.linear.gather [hbm4b:s13+s3], $0x2000, $0x38;
	[tilespmem:$0x8D30] =	vst v63  }
0x62: {  	_ = 	snop  }
0x63: {  	[tilespmem:s25], [sflag:$0x3] =	stream.linear.gather [hbm4b:s14+s3], $0x2000, $0x38;
	[tilespmem:$0x8D30] =	vst v63  }
0x64: {  	s21 =	simm.s32 $0x0  }
0x65: {  	v7 =	vimm.f32 $0.0e+00;
	[tilespmem:s26], [sflag:$0x4] =	stream.linear.gather [hbm4b:s15+s3], $0x2000, $0x38;
	[tilespmem:$0x8D30] =	vst v63  }
.LBB2_2:
0x66: {  	s22 =	sshll.u32 s21, $0x2  }
0x67: {  	_ =	swait.ge [sflag:s28], $0x2000;
	s0 =	sadd.s32 s4, s22  }
0x68: {  	s23 =	simm.s32 $0x0;
	[sflag:s28] =	ssyncset.done $0x0;
	s0 =	sshll.u32 s0, $0x4  }
0x69: {  	v12 =	vxor.u32 s23, v1;
	[sflag:s28] =	ssyncadd.s32 $0xFFFFE000;
	s0 =	ssub.s32 s0, s5  }
0x6a: {  	v13 =	vxor.u32 s23, v4;
	v8 =	vld [tilespmem:s0+$0x8000]  }
0x6b: {  	v14 =	vxor.u32 s23, v5;
	v9 =	vld [tilespmem:s0+$0x8280]  }
0x6c: {  	v15 =	vxor.u32 s23, v6;
	v10 =	vld [tilespmem:s0+$0x8500]  }
0x6d: {  	v11 =	vld [tilespmem:s0+$0x8780]  }
0x6e: {  	v12 =	vld.idx.msk [tilespmem:v12+s3+$0x0], $0xffff  }
0x6f: {  	s8 =	simm.s32 $0x1;
	v13 =	vld.idx.msk [tilespmem:v13+s3+$0x0], $0xffff  }
0x70: {  	v16 =	vxor.u32 s8, v1;
	v14 =	vld.idx.msk [tilespmem:v14+s3+$0x0], $0xffff  }
0x71: {  	v17 =	vxor.u32 s8, v4;
	v15 =	vld.idx.msk [tilespmem:v15+s3+$0x0], $0xffff  }
0x72: {  	v18 =	vxor.u32 s8, v5  }
0x73: {  	v19 =	vxor.u32 s8, v6;
	_ =	sdelay $0x1  }
0x74: {  	v25 =	vld.idx.msk [tilespmem:v16+s3+$0x0], $0xffff;
	v20 =	vsub.f32 v10, v8;
	v21 =	vsub.f32 v11, v9  }
0x75: {  	v27 =	vld.idx.msk [tilespmem:v17+s3+$0x0], $0xffff;
	v22 =	vsub.f32 v14, v12;
	v23 =	vsub.f32 v15, v13;
	v12 =	vmax.f32 v12, v8  }
0x76: {  	v16 =	vld.idx.msk [tilespmem:v18+s3+$0x0], $0xffff;
	v13 =	vmax.f32 v13, v9;
	v14 =	vmin.f32 v14, v10;
	v15 =	vmin.f32 v15, v11  }
0x77: {  	s23 =	simm.s32 $0x2;
	v18 =	vld.idx.msk [tilespmem:v19+s3+$0x0], $0xffff;
	v14 =	vsub.f32 v14, v12;
	v13 =	vsub.f32 v15, v13  }
0x78: {  	v12 =	vmul.f32 v21, v20;
	v15 =	vxor.u32 s23, v1;
	v17 =	vmul.f32 v23, v22  }
0x79: {  	v20 =	vxor.u32 s23, v4;
	v14 =	vmax.f32 v14, $0.0e+00;
	v19 =	vmax.f32 v13, $0.0e+00  }
0x7a: {  	v23 =	vxor.u32 s23, v5;
	v14 =	vmul.f32 v19, v14;
	v17 =	vadd.f32 v17, v12  }
0x7b: {  	v26 =	vmax.f32 v25, v8;
	v21 =	vxor.u32 s23, v6  }
0x7c: {  	v22 =	vsub.f32 v18, v27;
	v13 =	vimm.f32 $1.000000000e+00;
	v24 =	vsub.f32 v17, v14  }
0x7d: {  	s23 =	simm.s32 $0x3;
	v19 =	vsub.f32 v16, v25;
	v25 =	vmax.f32 v27, v9;
	v17 =	vld.idx.msk [tilespmem:v15+s3+$0x0], $0xffff;
	v15 =	vimm.f32 $0.0e+00  }
.LBB2_3:
0x7e: {  	p0 =	sne.s32 s23, $0x7F;
	v27 =	vld.idx.msk [tilespmem:v20+s3+$0x0], $0xffff;
	v20 =	vmin.f32 v16, v10;
	v28 =	vmin.f32 v18, v11;
	v24 =	vmax.f32 v24, $9.999999970e-07  }
0x7f: {  	v16 =	vld.idx.msk [tilespmem:v23+s3+$0x0], $0xffff;
	v23 =	vsub.f32 v20, v26;
	v26 =	vmul.f32 v14, v13;
	v29 =	vmul.f32 v24, v15  }
0x80: {  	v30 =	vxor.u32 s23, v1;
	v20 =	vxor.u32 s23, v4;
	v18 =	vld.idx.msk [tilespmem:v21+s3+$0x0], $0xffff;
	v21 =	vsub.f32 v28, v25  }
0x81: {  	v19 =	vmul.f32 v22, v19;
	v22 =	vmax.f32 v23, $0.0e+00;
	vm0 =	vgt.f32 v26, v29  }
.Ltmp2:
0x82: {  	v21 =	vmax.f32 v21, $0.0e+00;
	v15 =	vsel vm0, v14, v15;
	v13 =	vsel vm0, v24, v13;
	(pc) =	sbr.rel @p0 .LBB2_3-.Ltmp2, $4  }
0x83: {  	v23 =	vxor.u32 s23, v5;
	v14 =	vmul.f32 v21, v22;
	v22 =	vadd.f32 v19, v12  }
0x84: {  	v21 =	vxor.u32 s23, v6  }
0x85: {  	v19 =	vsub.f32 v16, v17;
	v24 =	vsub.f32 v22, v14  }
0x86: {  	v26 =	vmax.f32 v17, v8;
	s23 =	sadd.s32 $0x1, s23;
	v25 =	vmax.f32 v27, v9;
	v22 =	vsub.f32 v18, v27;
	v17 =	vld.idx.msk [tilespmem:v30+s3+$0x0], $0xffff  }
0x87: {  	_ =	sdelay $0x3  }
0x88: {  	v20 =	vld.idx.msk [tilespmem:v20+s3+$0x0], $0xffff  }
0x89: {  	v23 =	vld.idx.msk [tilespmem:v23+s3+$0x0], $0xffff  }
0x8a: {  	v16 =	vmin.f32 v16, v10;
	v18 =	vmin.f32 v18, v11;
	v21 =	vld.idx.msk [tilespmem:v21+s3+$0x0], $0xffff  }
0x8b: {  	v16 =	vsub.f32 v16, v26;
	v18 =	vsub.f32 v18, v25  }
0x8c: {  	v24 =	vmax.f32 v24, $9.999999970e-07;
	v19 =	vmul.f32 v22, v19  }
0x8d: {  	v22 =	vmul.f32 v14, v13;
	v16 =	vmax.f32 v16, $0.0e+00;
	v18 =	vmax.f32 v18, $0.0e+00  }
0x8e: {  	v25 =	vmul.f32 v24, v15;
	v16 =	vmul.f32 v18, v16;
	v18 =	vadd.f32 v19, v12  }
0x8f: {  	v8 =	vmax.f32 v17, v8;
	v19 =	vsub.f32 v23, v17;
	v26 =	vsub.f32 v21, v20  }
0x90: {  	v9 =	vmax.f32 v20, v9;
	v10 =	vmin.f32 v23, v10;
	v11 =	vmin.f32 v21, v11  }
0x91: {  	vm0 =	vgt.f32 v22, v25;
	v8 =	vsub.f32 v10, v8;
	v9 =	vsub.f32 v11, v9  }
0x92: {  	v10 =	vsel vm0, v14, v15;
	v11 =	vsub.f32 v18, v16;
	v14 =	vmul.f32 v26, v19  }
0x93: {  	v13 =	vsel vm0, v24, v13;
	v8 =	vmax.f32 v8, $0.0e+00;
	v9 =	vmax.f32 v9, $0.0e+00  }
0x94: {  	v11 =	vmax.f32 v11, $9.999999970e-07;
	v8 =	vmul.f32 v9, v8;
	v9 =	vadd.f32 v14, v12  }
0x95: {  	v12 =	vmul.f32 v16, v13;
	v14 =	vmul.f32 v11, v10  }
0x96: {  	v9 =	vsub.f32 v9, v8  }
0x97: {  	vm13 =	vgt.f32 v12, v14  }
0x98: {  	v10 =	vsel vm13, v16, v10;
	v11 =	vsel vm13, v11, v13;
	v9 =	vmax.f32 v9, $9.999999970e-07  }
0x99: {  	v12 =	vmul.f32 v8, v11;
	v13 =	vmul.f32 v9, v10;
	_ =	sdelay $0x1  }
0x9a: {  	vm14 =	vgt.f32 v12, v13  }
0x9b: {  	v9 =	vsel vm14, v9, v11  }
0x9c: {  	(erf) = vrcp.f32 v9;
	_ =	sdelay $0x8  }
0x9d: {  	v8 =	vsel vm14, v8, v10;
	v9 =	vpop (erf)  }
0x9e: {  	v12 =	vmul.f32 v9, v8;
	_ =	sdelay $0x1  }
0x9f: {  	v8 =	vmul.f32 v12, v3;
	_ =	sdelay $0x1  }
0xa0: {  	v8 =	vtrunc.f32 v8  }
0xa1: {  	v8 =	vcvt.f32.s32 v8;
	_ =	sdelay $0x1  }
0xa2: {  	vm15 =	vlt.s32 v8, $0x31  }
0xa3: {  	v8 =	vnsel vm15, $0x31, v8  }
0xa4: {  	v8 =	vshll.u32 v8, $0x4  }
0xa5: {  	p0 =	seq.s32 s21, $0x9;
	v8 =	vor.u32 v0, v8  }
0xa6: {  	s0 =	sadd.s32 @!p0 $0x4, s22  }
0xa7: {  	p1 =	slt.u32 s22, s6;
	s23 =	simm.s32 $0x1;
	s0 =	smin.u32 @!p0 s0, s10  }
0xa8: {  	s23 =	simm.s32 @!p1 $0x0;
	s0 =	sadd.s32 @!p0 s4, s0  }
0xa9: {  	s0 =	sshll.u32 @!p0 s0, $0xA;
	v9 =	vmov s23  }
0xaa: {  	s0 =	sadd.s32 @!p0 s2, s0;
	s23 =	simm.s32 @!p0 $0x0;
	[tilespmem:v8+s29+$0x0] =	vst.idx.add.s32.msk $0xffff, v9  }
0xab: {  	[tilespmem:s23], [sflag:$0x1] =	stream.linear.gather @!p0 [hbm4b:s0+s23], $0x2000, $0x38;
	[tilespmem:$0x8D30] =	vst v63  }
0xac: {  	s23 =	sor.u32 $0x1, s22  }
0xad: {  	_ =	swait.ge [sflag:s30], $0x2000;
	s8 =	sadd.s32 s4, s23  }
0xae: {  	[sflag:s30] =	ssyncset.done $0x0;
	s0 =	sshll.u32 s8, $0x4;
	s8 =	simm.s32 $0x0  }
0xaf: {  	[sflag:s30] =	ssyncadd.s32 $0xFFFFE000;
	s0 =	ssub.s32 s0, s5;
	v13 =	vxor.u32 s8, v1  }
0xb0: {  	v14 =	vxor.u32 s8, v4;
	v8 =	vld [tilespmem:s0+$0x8000]  }
0xb1: {  	v15 =	vxor.u32 s8, v5;
	v9 =	vld [tilespmem:s0+$0x8280]  }
0xb2: {  	v16 =	vxor.u32 s8, v6;
	v10 =	vld [tilespmem:s0+$0x8500]  }
0xb3: {  	v11 =	vld [tilespmem:s0+$0x8780]  }
0xb4: {  	v13 =	vld.idx.msk [tilespmem:v13+s24+$0x0], $0xffff  }
0xb5: {  	v14 =	vld.idx.msk [tilespmem:v14+s24+$0x0], $0xffff  }
0xb6: {  	s8 =	simm.s32 $0x1;
	v15 =	vld.idx.msk [tilespmem:v15+s24+$0x0], $0xffff  }
0xb7: {  	v17 =	vxor.u32 s8, v1;
	v16 =	vld.idx.msk [tilespmem:v16+s24+$0x0], $0xffff  }
0xb8: {  	v18 =	vxor.u32 s8, v4  }
0xb9: {  	v19 =	vxor.u32 s8, v5  }
0xba: {  	v20 =	vxor.u32 s8, v6  }
0xbb: {  	v21 =	vsub.f32 v10, v8;
	v22 =	vsub.f32 v11, v9  }
0xbc: {  	s0 =	simm.f32 $1.000000000e+00;
	v25 =	vld.idx.msk [tilespmem:v17+s24+$0x0], $0xffff;
	v23 =	vsub.f32 v15, v13;
	v17 =	vsub.f32 v16, v14;
	v13 =	vmax.f32 v13, v8  }
0xbd: {  	s0 =	simm.s32 @!p1 $0x0;
	v27 =	vld.idx.msk [tilespmem:v18+s24+$0x0], $0xffff;
	v14 =	vmax.f32 v14, v9;
	v15 =	vmin.f32 v15, v10;
	v18 =	vmin.f32 v16, v11  }
0xbe: {  	s8 =	simm.s32 $0x2;
	v24 =	vmul.f32 s0, v12;
	v16 =	vld.idx.msk [tilespmem:v19+s24+$0x0], $0xffff;
	v13 =	vsub.f32 v15, v13;
	v14 =	vsub.f32 v18, v14  }
0xbf: {  	v12 =	vmul.f32 v22, v21;
	v22 =	vxor.u32 s8, v1;
	v18 =	vld.idx.msk [tilespmem:v20+s24+$0x0], $0xffff;
	v17 =	vmul.f32 v17, v23  }
0xc0: {  	v20 =	vxor.u32 s8, v4;
	v13 =	vmax.f32 v13, $0.0e+00;
	v15 =	vmax.f32 v14, $0.0e+00  }
0xc1: {  	v23 =	vxor.u32 s8, v5;
	v15 =	vmul.f32 v15, v13;
	v17 =	vadd.f32 v17, v12  }
0xc2: {  	v7 =	vadd.f32 v24, v7;
	v21 =	vxor.u32 s8, v6;
	v26 =	vmax.f32 v25, v8  }
0xc3: {  	v14 =	vimm.f32 $0.0e+00;
	v13 =	vimm.f32 $1.000000000e+00;
	v24 =	vsub.f32 v17, v15  }
0xc4: {  	s0 =	simm.s32 $0x3;
	v19 =	vsub.f32 v16, v25;
	v25 =	vmax.f32 v27, v9;
	v17 =	vld.idx.msk [tilespmem:v22+s24+$0x0], $0xffff;
	v22 =	vsub.f32 v18, v27  }
.LBB2_5:
0xc5: {  	p1 =	sne.s32 s0, $0x7F;
	v27 =	vld.idx.msk [tilespmem:v20+s24+$0x0], $0xffff;
	v20 =	vmin.f32 v16, v10;
	v28 =	vmin.f32 v18, v11;
	v24 =	vmax.f32 v24, $9.999999970e-07  }
0xc6: {  	v16 =	vld.idx.msk [tilespmem:v23+s24+$0x0], $0xffff;
	v23 =	vsub.f32 v20, v26;
	v26 =	vmul.f32 v15, v13;
	v29 =	vmul.f32 v24, v14  }
0xc7: {  	v30 =	vxor.u32 s0, v1;
	v20 =	vxor.u32 s0, v4;
	v18 =	vld.idx.msk [tilespmem:v21+s24+$0x0], $0xffff;
	v21 =	vsub.f32 v28, v25  }
0xc8: {  	v19 =	vmul.f32 v22, v19;
	v22 =	vmax.f32 v23, $0.0e+00;
	vm0 =	vgt.f32 v26, v29  }
.Ltmp3:
0xc9: {  	v21 =	vmax.f32 v21, $0.0e+00;
	v14 =	vsel vm0, v15, v14;
	v13 =	vsel vm0, v24, v13;
	(pc) =	sbr.rel @p1 .LBB2_5-.Ltmp3, $4  }
0xca: {  	v23 =	vxor.u32 s0, v5;
	v15 =	vmul.f32 v21, v22;
	v22 =	vadd.f32 v19, v12  }
0xcb: {  	v21 =	vxor.u32 s0, v6  }
0xcc: {  	v19 =	vsub.f32 v16, v17;
	v24 =	vsub.f32 v22, v15  }
0xcd: {  	v26 =	vmax.f32 v17, v8;
	s0 =	sadd.s32 $0x1, s0;
	v25 =	vmax.f32 v27, v9;
	v22 =	vsub.f32 v18, v27;
	v17 =	vld.idx.msk [tilespmem:v30+s24+$0x0], $0xffff  }
0xce: {  	_ =	sdelay $0x3  }
0xcf: {  	v20 =	vld.idx.msk [tilespmem:v20+s24+$0x0], $0xffff  }
0xd0: {  	v23 =	vld.idx.msk [tilespmem:v23+s24+$0x0], $0xffff  }
0xd1: {  	v16 =	vmin.f32 v16, v10;
	v18 =	vmin.f32 v18, v11;
	v21 =	vld.idx.msk [tilespmem:v21+s24+$0x0], $0xffff  }
0xd2: {  	v16 =	vsub.f32 v16, v26;
	v18 =	vsub.f32 v18, v25  }
0xd3: {  	v24 =	vmax.f32 v24, $9.999999970e-07;
	v19 =	vmul.f32 v22, v19  }
0xd4: {  	v22 =	vmul.f32 v15, v13;
	v16 =	vmax.f32 v16, $0.0e+00;
	v18 =	vmax.f32 v18, $0.0e+00  }
0xd5: {  	v25 =	vmul.f32 v24, v14;
	v16 =	vmul.f32 v18, v16;
	v18 =	vadd.f32 v19, v12  }
0xd6: {  	v8 =	vmax.f32 v17, v8;
	v19 =	vsub.f32 v23, v17;
	v26 =	vsub.f32 v21, v20  }
0xd7: {  	v9 =	vmax.f32 v20, v9;
	v10 =	vmin.f32 v23, v10;
	v11 =	vmin.f32 v21, v11  }
0xd8: {  	vm0 =	vgt.f32 v22, v25;
	v8 =	vsub.f32 v10, v8;
	v9 =	vsub.f32 v11, v9  }
0xd9: {  	v10 =	vsel vm0, v15, v14;
	v11 =	vsub.f32 v18, v16;
	v14 =	vmul.f32 v26, v19  }
0xda: {  	v13 =	vsel vm0, v24, v13;
	v8 =	vmax.f32 v8, $0.0e+00;
	v9 =	vmax.f32 v9, $0.0e+00  }
0xdb: {  	v11 =	vmax.f32 v11, $9.999999970e-07;
	v8 =	vmul.f32 v9, v8;
	v9 =	vadd.f32 v14, v12  }
0xdc: {  	v12 =	vmul.f32 v16, v13;
	v14 =	vmul.f32 v11, v10  }
0xdd: {  	v9 =	vsub.f32 v9, v8  }
0xde: {  	vm13 =	vgt.f32 v12, v14  }
0xdf: {  	v10 =	vsel vm13, v16, v10;
	v11 =	vsel vm13, v11, v13;
	v9 =	vmax.f32 v9, $9.999999970e-07  }
0xe0: {  	v12 =	vmul.f32 v8, v11;
	v13 =	vmul.f32 v9, v10;
	_ =	sdelay $0x1  }
0xe1: {  	vm14 =	vgt.f32 v12, v13  }
0xe2: {  	v9 =	vsel vm14, v9, v11  }
0xe3: {  	(erf) = vrcp.f32 v9;
	_ =	sdelay $0x8  }
0xe4: {  	v8 =	vsel vm14, v8, v10;
	v9 =	vpop (erf)  }
0xe5: {  	v12 =	vmul.f32 v9, v8;
	_ =	sdelay $0x1  }
0xe6: {  	v8 =	vmul.f32 v12, v3;
	_ =	sdelay $0x1  }
0xe7: {  	v8 =	vtrunc.f32 v8  }
0xe8: {  	v8 =	vcvt.f32.s32 v8;
	_ =	sdelay $0x1  }
0xe9: {  	vm15 =	vlt.s32 v8, $0x31  }
0xea: {  	v8 =	vnsel vm15, $0x31, v8  }
0xeb: {  	v8 =	vshll.u32 v8, $0x4  }
0xec: {  	v8 =	vor.u32 v0, v8  }
0xed: {  	s0 =	sadd.s32 @!p0 $0x5, s22  }
0xee: {  	p1 =	slt.u32 s23, s6;
	s8 =	simm.s32 $0x1;
	s0 =	smin.u32 @!p0 s0, s10  }
0xef: {  	s8 =	simm.s32 @!p1 $0x0;
	s0 =	sadd.s32 @!p0 s4, s0  }
0xf0: {  	s0 =	sshll.u32 @!p0 s0, $0xA;
	v9 =	vmov s8  }
0xf1: {  	s23 =	simm.s32 @!p0 $0x2000;
	s0 =	sadd.s32 @!p0 s2, s0;
	s8 =	simm.s32 @!p0 $0x0;
	[tilespmem:v8+s29+$0x0] =	vst.idx.add.s32.msk $0xffff, v9  }
0xf2: {  	[tilespmem:s23], [sflag:$0x2] =	stream.linear.gather @!p0 [hbm4b:s0+s8], $0x2000, $0x38;
	[tilespmem:$0x8D30] =	vst v63  }
0xf3: {  	s23 =	sor.u32 $0x2, s22  }
0xf4: {  	_ =	swait.ge [sflag:s31], $0x2000;
	s8 =	sadd.s32 s4, s23  }
0xf5: {  	[sflag:s31] =	ssyncset.done $0x0;
	s0 =	sshll.u32 s8, $0x4;
	s8 =	simm.s32 $0x0  }
0xf6: {  	[sflag:s31] =	ssyncadd.s32 $0xFFFFE000;
	s0 =	ssub.s32 s0, s5;
	v13 =	vxor.u32 s8, v1  }
0xf7: {  	v14 =	vxor.u32 s8, v4;
	v8 =	vld [tilespmem:s0+$0x8000]  }
0xf8: {  	v15 =	vxor.u32 s8, v5;
	v9 =	vld [tilespmem:s0+$0x8280]  }
0xf9: {  	v16 =	vxor.u32 s8, v6;
	v10 =	vld [tilespmem:s0+$0x8500]  }
0xfa: {  	v11 =	vld [tilespmem:s0+$0x8780]  }
0xfb: {  	v13 =	vld.idx.msk [tilespmem:v13+s25+$0x0], $0xffff  }
0xfc: {  	v14 =	vld.idx.msk [tilespmem:v14+s25+$0x0], $0xffff  }
0xfd: {  	s8 =	simm.s32 $0x1;
	v15 =	vld.idx.msk [tilespmem:v15+s25+$0x0], $0xffff  }
0xfe: {  	v17 =	vxor.u32 s8, v1;
	v16 =	vld.idx.msk [tilespmem:v16+s25+$0x0], $0xffff  }
0xff: {  	v18 =	vxor.u32 s8, v4  }
0x100: {  	v19 =	vxor.u32 s8, v5  }
0x101: {  	v20 =	vxor.u32 s8, v6  }
0x102: {  	v21 =	vsub.f32 v10, v8;
	v22 =	vsub.f32 v11, v9  }
0x103: {  	s0 =	simm.f32 $1.000000000e+00;
	v25 =	vld.idx.msk [tilespmem:v17+s25+$0x0], $0xffff;
	v23 =	vsub.f32 v15, v13;
	v17 =	vsub.f32 v16, v14;
	v13 =	vmax.f32 v13, v8  }
0x104: {  	s0 =	simm.s32 @!p1 $0x0;
	v27 =	vld.idx.msk [tilespmem:v18+s25+$0x0], $0xffff;
	v14 =	vmax.f32 v14, v9;
	v15 =	vmin.f32 v15, v10;
	v18 =	vmin.f32 v16, v11  }
0x105: {  	s8 =	simm.s32 $0x2;
	v24 =	vmul.f32 s0, v12;
	v16 =	vld.idx.msk [tilespmem:v19+s25+$0x0], $0xffff;
	v13 =	vsub.f32 v15, v13;
	v14 =	vsub.f32 v18, v14  }
0x106: {  	v12 =	vmul.f32 v22, v21;
	v22 =	vxor.u32 s8, v1;
	v18 =	vld.idx.msk [tilespmem:v20+s25+$0x0], $0xffff;
	v17 =	vmul.f32 v17, v23  }
0x107: {  	v20 =	vxor.u32 s8, v4;
	v13 =	vmax.f32 v13, $0.0e+00;
	v15 =	vmax.f32 v14, $0.0e+00  }
0x108: {  	v23 =	vxor.u32 s8, v5;
	v15 =	vmul.f32 v15, v13;
	v17 =	vadd.f32 v17, v12  }
0x109: {  	v7 =	vadd.f32 v24, v7;
	v21 =	vxor.u32 s8, v6;
	v26 =	vmax.f32 v25, v8  }
0x10a: {  	v14 =	vimm.f32 $0.0e+00;
	v13 =	vimm.f32 $1.000000000e+00;
	v24 =	vsub.f32 v17, v15  }
0x10b: {  	s0 =	simm.s32 $0x3;
	v19 =	vsub.f32 v16, v25;
	v25 =	vmax.f32 v27, v9;
	v17 =	vld.idx.msk [tilespmem:v22+s25+$0x0], $0xffff;
	v22 =	vsub.f32 v18, v27  }
.LBB2_7:
0x10c: {  	p1 =	sne.s32 s0, $0x7F;
	v27 =	vld.idx.msk [tilespmem:v20+s25+$0x0], $0xffff;
	v20 =	vmin.f32 v16, v10;
	v28 =	vmin.f32 v18, v11;
	v24 =	vmax.f32 v24, $9.999999970e-07  }
0x10d: {  	v16 =	vld.idx.msk [tilespmem:v23+s25+$0x0], $0xffff;
	v23 =	vsub.f32 v20, v26;
	v26 =	vmul.f32 v15, v13;
	v29 =	vmul.f32 v24, v14  }
0x10e: {  	v30 =	vxor.u32 s0, v1;
	v20 =	vxor.u32 s0, v4;
	v18 =	vld.idx.msk [tilespmem:v21+s25+$0x0], $0xffff;
	v21 =	vsub.f32 v28, v25  }
0x10f: {  	v19 =	vmul.f32 v22, v19;
	v22 =	vmax.f32 v23, $0.0e+00;
	vm0 =	vgt.f32 v26, v29  }
.Ltmp4:
0x110: {  	v21 =	vmax.f32 v21, $0.0e+00;
	v14 =	vsel vm0, v15, v14;
	v13 =	vsel vm0, v24, v13;
	(pc) =	sbr.rel @p1 .LBB2_7-.Ltmp4, $4  }
0x111: {  	v23 =	vxor.u32 s0, v5;
	v15 =	vmul.f32 v21, v22;
	v22 =	vadd.f32 v19, v12  }
0x112: {  	v21 =	vxor.u32 s0, v6  }
0x113: {  	v19 =	vsub.f32 v16, v17;
	v24 =	vsub.f32 v22, v15  }
0x114: {  	v26 =	vmax.f32 v17, v8;
	s0 =	sadd.s32 $0x1, s0;
	v25 =	vmax.f32 v27, v9;
	v22 =	vsub.f32 v18, v27;
	v17 =	vld.idx.msk [tilespmem:v30+s25+$0x0], $0xffff  }
0x115: {  	_ =	sdelay $0x3  }
0x116: {  	v20 =	vld.idx.msk [tilespmem:v20+s25+$0x0], $0xffff  }
0x117: {  	v23 =	vld.idx.msk [tilespmem:v23+s25+$0x0], $0xffff  }
0x118: {  	v16 =	vmin.f32 v16, v10;
	v18 =	vmin.f32 v18, v11;
	v21 =	vld.idx.msk [tilespmem:v21+s25+$0x0], $0xffff  }
0x119: {  	v16 =	vsub.f32 v16, v26;
	v18 =	vsub.f32 v18, v25  }
0x11a: {  	v24 =	vmax.f32 v24, $9.999999970e-07;
	v19 =	vmul.f32 v22, v19  }
0x11b: {  	v22 =	vmul.f32 v15, v13;
	v16 =	vmax.f32 v16, $0.0e+00;
	v18 =	vmax.f32 v18, $0.0e+00  }
0x11c: {  	v25 =	vmul.f32 v24, v14;
	v16 =	vmul.f32 v18, v16;
	v18 =	vadd.f32 v19, v12  }
0x11d: {  	v8 =	vmax.f32 v17, v8;
	v19 =	vsub.f32 v23, v17;
	v26 =	vsub.f32 v21, v20  }
0x11e: {  	v9 =	vmax.f32 v20, v9;
	v10 =	vmin.f32 v23, v10;
	v11 =	vmin.f32 v21, v11  }
0x11f: {  	vm0 =	vgt.f32 v22, v25;
	v8 =	vsub.f32 v10, v8;
	v9 =	vsub.f32 v11, v9  }
0x120: {  	v10 =	vsel vm0, v15, v14;
	v11 =	vsub.f32 v18, v16;
	v14 =	vmul.f32 v26, v19  }
0x121: {  	v13 =	vsel vm0, v24, v13;
	v8 =	vmax.f32 v8, $0.0e+00;
	v9 =	vmax.f32 v9, $0.0e+00  }
0x122: {  	v11 =	vmax.f32 v11, $9.999999970e-07;
	v8 =	vmul.f32 v9, v8;
	v9 =	vadd.f32 v14, v12  }
0x123: {  	v12 =	vmul.f32 v16, v13;
	v14 =	vmul.f32 v11, v10  }
0x124: {  	v9 =	vsub.f32 v9, v8  }
0x125: {  	vm13 =	vgt.f32 v12, v14  }
0x126: {  	v10 =	vsel vm13, v16, v10;
	v11 =	vsel vm13, v11, v13;
	v9 =	vmax.f32 v9, $9.999999970e-07  }
0x127: {  	v12 =	vmul.f32 v8, v11;
	v13 =	vmul.f32 v9, v10;
	_ =	sdelay $0x1  }
0x128: {  	vm14 =	vgt.f32 v12, v13  }
0x129: {  	v9 =	vsel vm14, v9, v11  }
0x12a: {  	(erf) = vrcp.f32 v9;
	_ =	sdelay $0x8  }
0x12b: {  	v8 =	vsel vm14, v8, v10;
	v9 =	vpop (erf)  }
0x12c: {  	v12 =	vmul.f32 v9, v8;
	_ =	sdelay $0x1  }
0x12d: {  	v8 =	vmul.f32 v12, v3;
	_ =	sdelay $0x1  }
0x12e: {  	v8 =	vtrunc.f32 v8  }
0x12f: {  	v8 =	vcvt.f32.s32 v8;
	_ =	sdelay $0x1  }
0x130: {  	vm15 =	vlt.s32 v8, $0x31  }
0x131: {  	v8 =	vnsel vm15, $0x31, v8  }
0x132: {  	v8 =	vshll.u32 v8, $0x4  }
0x133: {  	v8 =	vor.u32 v0, v8  }
0x134: {  	s0 =	sadd.s32 @!p0 $0x6, s22  }
0x135: {  	p1 =	slt.u32 s23, s6;
	s8 =	simm.s32 $0x1;
	s0 =	smin.u32 @!p0 s0, s10  }
0x136: {  	s8 =	simm.s32 @!p1 $0x0;
	s0 =	sadd.s32 @!p0 s4, s0  }
0x137: {  	s0 =	sshll.u32 @!p0 s0, $0xA;
	v9 =	vmov s8  }
0x138: {  	s23 =	simm.s32 @!p0 $0x4000;
	s0 =	sadd.s32 @!p0 s2, s0;
	s8 =	simm.s32 @!p0 $0x0;
	[tilespmem:v8+s29+$0x0] =	vst.idx.add.s32.msk $0xffff, v9  }
0x139: {  	[tilespmem:s23], [sflag:$0x3] =	stream.linear.gather @!p0 [hbm4b:s0+s8], $0x2000, $0x38;
	[tilespmem:$0x8D30] =	vst v63  }
0x13a: {  	s23 =	sor.u32 $0x3, s22  }
0x13b: {  	s8 =	smin.u32 s23, s10  }
0x13c: {  	_ =	swait.ge [sflag:s1], $0x2000;
	s0 =	sadd.s32 s4, s8  }
0x13d: {  	[sflag:s1] =	ssyncset.done $0x0;
	s8 =	simm.s32 $0x0;
	s0 =	sshll.u32 s0, $0x4  }
0x13e: {  	[sflag:s1] =	ssyncadd.s32 $0xFFFFE000;
	v13 =	vxor.u32 s8, v1;
	s0 =	ssub.s32 s0, s5  }
0x13f: {  	v14 =	vxor.u32 s8, v4;
	v8 =	vld [tilespmem:s0+$0x8000]  }
0x140: {  	v15 =	vxor.u32 s8, v5;
	v9 =	vld [tilespmem:s0+$0x8280]  }
0x141: {  	v16 =	vxor.u32 s8, v6;
	v10 =	vld [tilespmem:s0+$0x8500]  }
0x142: {  	v11 =	vld [tilespmem:s0+$0x8780]  }
0x143: {  	v13 =	vld.idx.msk [tilespmem:v13+s26+$0x0], $0xffff  }
0x144: {  	v14 =	vld.idx.msk [tilespmem:v14+s26+$0x0], $0xffff  }
0x145: {  	s8 =	simm.s32 $0x1;
	v15 =	vld.idx.msk [tilespmem:v15+s26+$0x0], $0xffff  }
0x146: {  	v17 =	vxor.u32 s8, v1;
	v16 =	vld.idx.msk [tilespmem:v16+s26+$0x0], $0xffff  }
0x147: {  	v18 =	vxor.u32 s8, v4  }
0x148: {  	v19 =	vxor.u32 s8, v5  }
0x149: {  	v20 =	vxor.u32 s8, v6  }
0x14a: {  	v21 =	vsub.f32 v10, v8;
	v22 =	vsub.f32 v11, v9  }
0x14b: {  	s0 =	simm.f32 $1.000000000e+00;
	v25 =	vld.idx.msk [tilespmem:v17+s26+$0x0], $0xffff;
	v23 =	vsub.f32 v15, v13;
	v17 =	vsub.f32 v16, v14;
	v13 =	vmax.f32 v13, v8  }
0x14c: {  	s0 =	simm.s32 @!p1 $0x0;
	v27 =	vld.idx.msk [tilespmem:v18+s26+$0x0], $0xffff;
	v14 =	vmax.f32 v14, v9;
	v15 =	vmin.f32 v15, v10;
	v18 =	vmin.f32 v16, v11  }
0x14d: {  	s8 =	simm.s32 $0x2;
	v24 =	vmul.f32 s0, v12;
	v16 =	vld.idx.msk [tilespmem:v19+s26+$0x0], $0xffff;
	v13 =	vsub.f32 v15, v13;
	v14 =	vsub.f32 v18, v14  }
0x14e: {  	v12 =	vmul.f32 v22, v21;
	v22 =	vxor.u32 s8, v1;
	v18 =	vld.idx.msk [tilespmem:v20+s26+$0x0], $0xffff;
	v17 =	vmul.f32 v17, v23  }
0x14f: {  	v20 =	vxor.u32 s8, v4;
	v13 =	vmax.f32 v13, $0.0e+00;
	v15 =	vmax.f32 v14, $0.0e+00  }
0x150: {  	v23 =	vxor.u32 s8, v5;
	v15 =	vmul.f32 v15, v13;
	v17 =	vadd.f32 v17, v12  }
0x151: {  	v7 =	vadd.f32 v24, v7;
	v21 =	vxor.u32 s8, v6;
	v26 =	vmax.f32 v25, v8  }
0x152: {  	v14 =	vimm.f32 $0.0e+00;
	v13 =	vimm.f32 $1.000000000e+00;
	v24 =	vsub.f32 v17, v15  }
0x153: {  	s0 =	simm.s32 $0x3;
	v19 =	vsub.f32 v16, v25;
	v25 =	vmax.f32 v27, v9;
	v17 =	vld.idx.msk [tilespmem:v22+s26+$0x0], $0xffff;
	v22 =	vsub.f32 v18, v27  }
.LBB2_9:
0x154: {  	p1 =	sne.s32 s0, $0x7F;
	v27 =	vld.idx.msk [tilespmem:v20+s26+$0x0], $0xffff;
	v20 =	vmin.f32 v16, v10;
	v28 =	vmin.f32 v18, v11;
	v24 =	vmax.f32 v24, $9.999999970e-07  }
0x155: {  	v16 =	vld.idx.msk [tilespmem:v23+s26+$0x0], $0xffff;
	v23 =	vsub.f32 v20, v26;
	v26 =	vmul.f32 v15, v13;
	v29 =	vmul.f32 v24, v14  }
0x156: {  	v30 =	vxor.u32 s0, v1;
	v20 =	vxor.u32 s0, v4;
	v18 =	vld.idx.msk [tilespmem:v21+s26+$0x0], $0xffff;
	v21 =	vsub.f32 v28, v25  }
0x157: {  	v19 =	vmul.f32 v22, v19;
	v22 =	vmax.f32 v23, $0.0e+00;
	vm0 =	vgt.f32 v26, v29  }
.Ltmp5:
0x158: {  	v21 =	vmax.f32 v21, $0.0e+00;
	v14 =	vsel vm0, v15, v14;
	v13 =	vsel vm0, v24, v13;
	(pc) =	sbr.rel @p1 .LBB2_9-.Ltmp5, $4  }
0x159: {  	v23 =	vxor.u32 s0, v5;
	v15 =	vmul.f32 v21, v22;
	v22 =	vadd.f32 v19, v12  }
0x15a: {  	v21 =	vxor.u32 s0, v6  }
0x15b: {  	v19 =	vsub.f32 v16, v17;
	v24 =	vsub.f32 v22, v15  }
0x15c: {  	v26 =	vmax.f32 v17, v8;
	s0 =	sadd.s32 $0x1, s0;
	v25 =	vmax.f32 v27, v9;
	v22 =	vsub.f32 v18, v27;
	v17 =	vld.idx.msk [tilespmem:v30+s26+$0x0], $0xffff  }
0x15d: {  	_ =	sdelay $0x3  }
0x15e: {  	v20 =	vld.idx.msk [tilespmem:v20+s26+$0x0], $0xffff  }
0x15f: {  	v23 =	vld.idx.msk [tilespmem:v23+s26+$0x0], $0xffff  }
0x160: {  	v16 =	vmin.f32 v16, v10;
	v18 =	vmin.f32 v18, v11;
	v21 =	vld.idx.msk [tilespmem:v21+s26+$0x0], $0xffff  }
0x161: {  	v16 =	vsub.f32 v16, v26;
	v18 =	vsub.f32 v18, v25  }
0x162: {  	v24 =	vmax.f32 v24, $9.999999970e-07;
	v19 =	vmul.f32 v22, v19  }
0x163: {  	v47 =	vmul.f32 v15, v13;
	v16 =	vmax.f32 v16, $0.0e+00;
	v18 =	vmax.f32 v18, $0.0e+00  }
0x164: {  	v48 =	vmul.f32 v24, v14;
	v49 =	vadd.f32 v19, v12;
	v16 =	vmul.f32 v18, v16  }
0x165: {  	v8 =	vmax.f32 v17, v8;
	v50 =	vsub.f32 v23, v17;
	v51 =	vsub.f32 v21, v20  }
0x166: {  	v9 =	vmax.f32 v20, v9;
	v52 =	vmin.f32 v23, v10;
	v53 =	vmin.f32 v21, v11  }
0x167: {  	vm0 =	vgt.f32 v47, v48;
	v8 =	vsub.f32 v52, v8;
	v9 =	vsub.f32 v53, v9  }
0x168: {  	v54 =	vsel vm0, v15, v14;
	v55 =	vsub.f32 v49, v16;
	v56 =	vmul.f32 v51, v50  }
0x169: {  	v57 =	vsel vm0, v24, v13;
	v8 =	vmax.f32 v8, $0.0e+00;
	v9 =	vmax.f32 v9, $0.0e+00  }
0x16a: {  	v11 =	vmax.f32 v55, $9.999999970e-07;
	v8 =	vmul.f32 v9, v8;
	v58 =	vadd.f32 v56, v12  }
0x16b: {  	v59 =	vmul.f32 v16, v57;
	v60 =	vmul.f32 v11, v54  }
0x16c: {  	v9 =	vsub.f32 v58, v8  }
0x16d: {  	vm13 =	vgt.f32 v59, v60  }
0x16e: {  	v10 =	vsel vm13, v16, v54;
	v11 =	vsel vm13, v11, v57;
	v9 =	vmax.f32 v9, $9.999999970e-07  }
0x16f: {  	v61 =	vmul.f32 v8, v11;
	v62 =	vmul.f32 v9, v10;
	_ =	sdelay $0x1  }
0x170: {  	vm14 =	vgt.f32 v61, v62  }
0x171: {  	v9 =	vsel vm14, v9, v11  }
0x172: {  	(erf) = vrcp.f32 v9;
	_ =	sdelay $0x8  }
0x173: {  	v8 =	vsel vm14, v8, v10;
	v9 =	vpop (erf)  }
0x174: {  	v8 =	vmul.f32 v9, v8;
	_ =	sdelay $0x1  }
0x175: {  	v9 =	vmul.f32 v8, v3;
	_ =	sdelay $0x1  }
0x176: {  	v9 =	vtrunc.f32 v9  }
0x177: {  	v9 =	vcvt.f32.s32 v9;
	_ =	sdelay $0x1  }
0x178: {  	vm15 =	vlt.s32 v9, $0x31  }
0x179: {  	v9 =	vnsel vm15, $0x31, v9  }
0x17a: {  	v9 =	vshll.u32 v9, $0x4  }
0x17b: {  	p1 =	slt.u32 s23, s6;
	s0 =	simm.f32 $1.000000000e+00;
	v9 =	vor.u32 v0, v9  }
.Ltmp6:
0x17c: {  	s0 =	simm.s32 @!p1 $0x0;
	(pc) =	sbr.rel @p0 .LBB2_12-.Ltmp6, $4  }
0x17d: {  	s8 =	simm.s32 $0x1;
	v8 =	vmul.f32 s0, v8  }
0x17e: {  	s8 =	simm.s32 @!p1 $0x0  }
0x17f: {  	v63 =	vmov s8;
	v7 =	vadd.f32 v8, v7  }
0x180: {  	[tilespmem:v9+s29+$0x0] =	vst.idx.add.s32.msk $0xffff, v63  }
0x181: {  	s0 =	sadd.s32 $0x7, s22  }
.Ltmp7:
0x182: {  	s0 =	smin.u32 s0, s10;
	(pc) =	sbr.rel .LBB2_2-.Ltmp7, $4  }
0x183: {  	s0 =	sadd.s32 s4, s0  }
0x184: {  	s0 =	sshll.u32 s0, $0xA  }
0x185: {  	s21 =	sadd.s32 $0x1, s21;
	s0 =	sadd.s32 s2, s0  }
0x186: {  	[tilespmem:s26], [sflag:$0x4] =	stream.linear.gather [hbm4b:s0+s3], $0x2000, $0x38;
	[tilespmem:$0x8D30] =	vst v63  }
.LBB2_13:
0x187: {  	_ =	sfence.sel $0x180000  }
0x188: {  	[bflag:$0x0] =	sbarrier.arrive $0xFFFF  }
0x189: {  	_ =	strace $0x90000047  }
0x18a: {  	s0 =	stileid.u32;
	[bflag:$0x2] =	sbarrier.arrive $0xFFFF  }
0x18b: {  	p0 =	sne.s32 s0, $0x0;
	s0 =	rddreg [dreg:$0x2]  }
0x18c: {  	s0 =	sadd.s32 @!p0 $0x100000, s0  }
0x18d: {  	[sflag:s0] =	ssyncadd.tile.s32 @!p0 $0x1;
	_ =	shalt  }
.Lfunc_end2:
_tile_overlayer_lowered:
.L_overlay_start_2:
0x18e: {  	(tag) =	ssettag $0x2  }
0x18f: {  	s0 =	rddreg [dreg:$0x0];
	s2 =	stileid.u32  }
0x190: {  	s1 =	rddreg [dreg:$0x1];
	p0 =	sne.s32 s2, $0x0  }
0x191: {  	s3 =	rddreg [dreg:$0x2];
	[bflag:$0x3] =	sbarrier.arrive $0xFFFF;
	s2 =	simm.s32 @!p0 $0x1C05  }
0x192: {  	[timem:s3], [sflag:s2] =	dma.local @!p0 [hbm:s0], s1  }
0x193: {  	s0 =	simm.s32 @!p0 $0x5  }
0x194: {  	_ =	swait.ge @!p0 [sflag:s0], s1  }
0x195: {  	s1 =	ssub.s32 @!p0 $0x0, s1;
	[sflag:s0] =	ssyncset.done @!p0 $0x0  }
0x196: {  	[sflag:s0] =	ssyncadd.s32 @!p0 s1  }
0x197: {  	[bflag:$0x3] =	sbarrier.arrive $0xFFFF  }
0x198: {  	_ =	shalt  }

</sc_bundles>
